<compile_context>
chip_gen: v7x
topology: tpu7x:2x2x1
jax: 0.10.2.dev20260603
libtpu: 0.0.44.dev20260713+nightly
codegen_flags: <defaults>
</compile_context>

<pallas_src>
import functools

import jax
import jax.numpy as jnp
from jax import lax
from jax.experimental import pallas as pl
from jax.experimental.pallas import tpu as pltpu
from jax.experimental.pallas import tpu_sc as plsc

N = 10000
F = 128
E = 320000
NC = 2
NS = 16
NW = NC * NS
EPT = E // NW
BLK = 80
NB = EPT // BLK
EPTP = NB * BLK
NPAD = N
RPS = 624
TAIL = N - NS * RPS
DW = 16

_mesh = plsc.VectorSubcoreMesh(core_axis_name="c", subcore_axis_name="s")


def _deg_body(dst_hbm, ones_hbm, zeros_hbm, out_hbm, dst_v, ones_v, zeros_v,
              accd):
    c = lax.axis_index("c")
    s = lax.axis_index("s")
    wid = s * NC + c

    pltpu.sync_copy(ones_hbm, ones_v)
    pltpu.sync_copy(zeros_hbm, zeros_v)

    base = s * RPS
    for k in range(RPS // BLK):
        pltpu.sync_copy(zeros_v, accd.at[pl.ds(base + k * BLK, BLK)])
    pltpu.sync_copy(zeros_v.at[pl.ds(0, RPS % BLK)],
                    accd.at[pl.ds(base + (RPS // BLK) * BLK, RPS % BLK)])

    @pl.when(s == NS - 1)
    def _():
        pltpu.sync_copy(zeros_v.at[pl.ds(0, TAIL)],
                        accd.at[pl.ds(NS * RPS, TAIL)])

    pltpu.sync_copy(accd.at[pl.ds(base, 8)], zeros_v.at[pl.ds(0, 8)])
    plsc.subcore_barrier()
    pltpu.sync_copy(dst_hbm.at[wid], dst_v)
    plsc.subcore_barrier()

    def body(j, _):
        pltpu.sync_copy(ones_v, accd.at[dst_v.at[j]], add=True)
        return 0

    lax.fori_loop(0, NB, body, 0)
    pltpu.sync_copy(accd.at[pl.ds(base, 8)], zeros_v.at[pl.ds(0, 8)])
    plsc.subcore_barrier()
    pltpu.sync_copy(accd.at[pl.ds(base, RPS)], out_hbm.at[c, pl.ds(base, RPS)])

    @pl.when(s == NS - 1)
    def _():
        pltpu.sync_copy(accd.at[pl.ds(NS * RPS, TAIL)],
                        out_hbm.at[c, pl.ds(NS * RPS, TAIL)])


_deg_call = functools.partial(
    pl.kernel,
    out_type=jax.ShapeDtypeStruct((NC, N, DW), jnp.float32),
    mesh=_mesh,
    scratch_types=[
        pltpu.VMEM((NB, BLK), jnp.int32),
        pltpu.VMEM((BLK, DW), jnp.float32),
        pltpu.VMEM((BLK, DW), jnp.float32),
        pltpu.VMEM_SHARED((NPAD, DW), jnp.float32),
    ],
)(_deg_body)


def _edge_body(src_hbm, dst_hbm, g_hbm, zeros_hbm, out_hbm, src_v, dst_v,
               rows, acc, sem_g):
    c = lax.axis_index("c")
    s = lax.axis_index("s")
    wid = s * NC + c

    pltpu.sync_copy(zeros_hbm, rows)

    base = s * RPS
    for k in range(RPS // BLK):
        pltpu.sync_copy(rows, acc.at[pl.ds(base + k * BLK, BLK)])
    pltpu.sync_copy(rows.at[pl.ds(0, RPS % BLK)],
                    acc.at[pl.ds(base + (RPS // BLK) * BLK, RPS % BLK)])

    @pl.when(s == NS - 1)
    def _():
        pltpu.sync_copy(rows.at[pl.ds(0, TAIL)],
                        acc.at[pl.ds(NS * RPS, TAIL)])

    pltpu.sync_copy(acc.at[pl.ds(base, 8)], rows.at[pl.ds(0, 8)])
    plsc.subcore_barrier()
    pltpu.sync_copy(src_hbm.at[wid], src_v)
    pltpu.sync_copy(dst_hbm.at[wid], dst_v)
    plsc.subcore_barrier()

    def body(j, _):
        pltpu.async_copy(g_hbm.at[src_v.at[j]], rows, sem_g).wait()
        pltpu.sync_copy(rows, acc.at[dst_v.at[j]], add=True)
        return 0

    lax.fori_loop(0, NB, body, 0)
    pltpu.sync_copy(acc.at[pl.ds(base, 8)], rows.at[pl.ds(0, 8)])
    plsc.subcore_barrier()
    pltpu.sync_copy(acc.at[pl.ds(base, RPS)], out_hbm.at[c, pl.ds(base, RPS)])

    @pl.when(s == NS - 1)
    def _():
        pltpu.sync_copy(acc.at[pl.ds(NS * RPS, TAIL)],
                        out_hbm.at[c, pl.ds(NS * RPS, TAIL)])


_edge_call = functools.partial(
    pl.kernel,
    out_type=jax.ShapeDtypeStruct((NC, N, F), jnp.float32),
    mesh=_mesh,
    scratch_types=[
        pltpu.VMEM((NB, BLK), jnp.int32),
        pltpu.VMEM((NB, BLK), jnp.int32),
        pltpu.VMEM((BLK, F), jnp.float32),
        pltpu.VMEM_SHARED((NPAD, F), jnp.float32),
        pltpu.SemaphoreType.DMA,
    ],
)(_edge_body)


RB = 1000
GRID = N // RB


def _k2_body(degp_ref, x_ref, w_ref, g_ref, dinv_ref):
    deg = degp_ref[0, :, 0:1] + degp_ref[1, :, 0:1] + 1.0
    dinv = lax.rsqrt(deg)
    h = jnp.dot(x_ref[...], w_ref[...], preferred_element_type=jnp.float32)
    g_ref[...] = h * dinv
    dinv_ref[...] = dinv


def _k2(degp, x, w):
    return pl.pallas_call(
        _k2_body,
        grid=(GRID,),
        in_specs=[
            pl.BlockSpec((NC, RB, DW), lambda i: (0, i, 0)),
            pl.BlockSpec((RB, F), lambda i: (i, 0)),
            pl.BlockSpec((F, F), lambda i: (0, 0)),
        ],
        out_specs=[
            pl.BlockSpec((RB, F), lambda i: (i, 0)),
            pl.BlockSpec((RB, 1), lambda i: (i, 0)),
        ],
        out_shape=[
            jax.ShapeDtypeStruct((N, F), jnp.float32),
            jax.ShapeDtypeStruct((N, 1), jnp.float32),
        ],
    )(degp, x, w)


def _k4_body(p_ref, g_ref, dinv_ref, b_ref, w_ref, g2_ref):
    sacc = p_ref[0] + p_ref[1] + g_ref[...]
    h = jnp.maximum(dinv_ref[...] * sacc + b_ref[...], 0.0)
    g2_ref[...] = jnp.dot(h, w_ref[...],
                          preferred_element_type=jnp.float32) * dinv_ref[...]


def _k4(p, g, dinv, b, w):
    return pl.pallas_call(
        _k4_body,
        grid=(GRID,),
        in_specs=[
            pl.BlockSpec((NC, RB, F), lambda i: (0, i, 0)),
            pl.BlockSpec((RB, F), lambda i: (i, 0)),
            pl.BlockSpec((RB, 1), lambda i: (i, 0)),
            pl.BlockSpec((1, F), lambda i: (0, 0)),
            pl.BlockSpec((F, F), lambda i: (0, 0)),
        ],
        out_specs=pl.BlockSpec((RB, F), lambda i: (i, 0)),
        out_shape=jax.ShapeDtypeStruct((N, F), jnp.float32),
    )(p, g, dinv, b, w)


def _k6_body(p_ref, g_ref, dinv_ref, b_ref, o_ref):
    sacc = p_ref[0] + p_ref[1] + g_ref[...]
    o_ref[...] = jnp.maximum(dinv_ref[...] * sacc + b_ref[...], 0.0)


def _k6(p, g, dinv, b):
    return pl.pallas_call(
        _k6_body,
        grid=(GRID,),
        in_specs=[
            pl.BlockSpec((NC, RB, F), lambda i: (0, i, 0)),
            pl.BlockSpec((RB, F), lambda i: (i, 0)),
            pl.BlockSpec((RB, 1), lambda i: (i, 0)),
            pl.BlockSpec((1, F), lambda i: (0, 0)),
        ],
        out_specs=pl.BlockSpec((RB, F), lambda i: (i, 0)),
        out_shape=jax.ShapeDtypeStruct((N, F), jnp.float32),
    )(p, g, dinv, b)


@jax.jit
def kernel(x, edge_index, W1, b1, W2, b2):
    src = edge_index[0].reshape(NW, NB, BLK)
    dst = edge_index[1].reshape(NW, NB, BLK)
    b1r = b1.reshape(1, F)
    b2r = b2.reshape(1, F)
    ones_dw = jnp.ones((BLK, DW), jnp.float32)
    zeros_dw = jnp.zeros((BLK, DW), jnp.float32)
    zeros_f = jnp.zeros((BLK, F), jnp.float32)

    degp = _deg_call(dst, ones_dw, zeros_dw)
    g1, dinv = _k2(degp, x, W1)
    p1 = _edge_call(src, dst, g1, zeros_f)
    g2 = _k4(p1, g1, dinv, b1r, W2)
    p2 = _edge_call(src, dst, g2, zeros_f)
    return _k6(p2, g2, dinv, b2r)

# --- scband reference (transcript-rebuilt; emitter-appended) ---
"""Pipeline reference for scband-gnnmodel-71605694759283 (READ-ONLY COPY).

The authoritative reference and input builder live on the scoring server;
editing this copy changes nothing except your own understanding.
"""

import jax, jax.numpy as jnp
import numpy as np

N = 10000
D = 128
H = 128
E = 320000


def setup_inputs(seed: int = 0) -> dict:
    key = jax.random.key(seed)
    k1, k2, k3, k4, k5, k6 = jax.random.split(key, 6)
    x = jax.random.normal(k1, (N, D), dtype=jnp.float32)
    edge_index = jax.random.randint(k2, (2, E), 0, N, dtype=jnp.int32)
    s1 = 1.0 / np.sqrt(D)
    s2 = 1.0 / np.sqrt(H)
    W1 = jax.random.normal(k3, (D, H), dtype=jnp.float32) * s1
    b1 = jnp.zeros((H,), dtype=jnp.float32)
    W2 = jax.random.normal(k4, (H, H), dtype=jnp.float32) * s2
    b2 = jnp.zeros((H,), dtype=jnp.float32)
    return {"x": x, "edge_index": edge_index, "W1": W1, "b1": b1, "W2": W2, "b2": b2}


def _gcn_layer(x, edge_index, W, b):
    # GCNConv: add self-loops, symmetric normalization D^{-1/2} A_hat D^{-1/2} (X W) + b
    num_nodes = x.shape[0]
    loop = jnp.arange(num_nodes, dtype=edge_index.dtype)
    src = jnp.concatenate([edge_index[0], loop])
    dst = jnp.concatenate([edge_index[1], loop])
    deg = jax.ops.segment_sum(jnp.ones_like(src, dtype=x.dtype), dst, num_segments=num_nodes)
    dinv = jnp.where(deg > 0, jax.lax.rsqrt(jnp.maximum(deg, 1e-12)), 0.0)
    norm = dinv[src] * dinv[dst]
    h = x @ W
    msg = jnp.take(h, src, axis=0) * norm[:, None]
    out = jax.ops.segment_sum(msg, dst, num_segments=num_nodes)
    return out + b


def reference(x, edge_index, W1, b1, W2, b2):
    h = _gcn_layer(x, edge_index, W1, b1)
    h = jax.nn.relu(h)
    # dropout(p=0.1) in eval mode -> identity
    h = _gcn_layer(h, edge_index, W2, b2)
    h = jax.nn.relu(h)
    return h

if __name__ == "__main__":
    import jax
    _d = setup_inputs()
    print(jax.jit(kernel)(*tuple(_d.values())))

</pallas_src>

<mosaic_0001>
#map = affine_map<(d0, d1) -> (0, 0, 0)>
#map1 = affine_map<(d0, d1) -> (0, 0)>
module attributes {stable_mosaic.version = 14 : i64} {
  func.func @_edge_body(%arg0: i32, %arg1: i32, %arg2: memref<32x125x80xi32, #tpu.memory_space<hbm>>, %arg3: memref<32x125x80xi32, #tpu.memory_space<hbm>>, %arg4: memref<10000x128xf32, #tpu.memory_space<hbm>>, %arg5: memref<80x128xf32, #tpu.memory_space<hbm>>, %arg6: memref<2x10000x128xf32, #tpu.memory_space<hbm>>, %arg7: memref<125x80xi32, #tpu.memory_space<vmem>>, %arg8: memref<125x80xi32, #tpu.memory_space<vmem>>, %arg9: memref<80x128xf32, #tpu.memory_space<vmem>>, %arg10: memref<10000x128xf32, #tpu.memory_space<vmem_shared>>, %arg11: memref<!tpu.dma_semaphore, #tpu.memory_space<semaphore_mem>>) attributes {dimension_semantics = [#tpu.dimension_semantics<core_parallel>, #tpu.dimension_semantics<subcore_parallel>], iteration_bounds = array<i64: 2, 16>, scalar_prefetch = 0 : i64, scratch_operands = 5 : i64, tpu.core_type = #tpu.core_type<sc_vector_subcore>, window_params = [{transform_indices = #map}, {transform_indices = #map}, {transform_indices = #map1}, {transform_indices = #map1}, {transform_indices = #map}]} {
    %mul3A = arith.constant 2 : i32
    %mul3A_0 = arith.muli %arg1, %mul3A : i32
    %add3A = arith.addi %mul3A_0, %arg0 : i32
    "tpu.region"() ({
      %run_scoped3A = tpu.sem_alloc : memref<!tpu.dma_semaphore, #tpu.memory_space<semaphore_mem>>
      tpu.enqueue_dma source(%arg5 : memref<80x128xf32, #tpu.memory_space<hbm>>) target(%arg9 : memref<80x128xf32, #tpu.memory_space<vmem>>) target_semaphore(%run_scoped3A : memref<!tpu.dma_semaphore, #tpu.memory_space<semaphore_mem>>)
      tpu.wait_dma2 semaphore(%run_scoped3A : memref<!tpu.dma_semaphore, #tpu.memory_space<semaphore_mem>>) src(%arg5 : memref<80x128xf32, #tpu.memory_space<hbm>>) dst(%arg9 : memref<80x128xf32, #tpu.memory_space<vmem>>)
      tpu.yield
    }) : () -> ()
    %mul3A_1 = arith.constant 624 : i32
    %mul3A_2 = arith.muli %arg1, %mul3A_1 : i32
    %add3A_3 = arith.constant 0 : i32
    %add3A_4 = arith.addi %mul3A_2, %add3A_3 : i32
    "tpu.region"() ({
      %run_scoped3A = tpu.sem_alloc : memref<!tpu.dma_semaphore, #tpu.memory_space<semaphore_mem>>
      %dma_start3A = arith.constant 0 : i32
      %dma_start3A_34 = tpu.memref_slice %arg10[%add3A_4, %dma_start3A] : memref<10000x128xf32, #tpu.memory_space<vmem_shared>> -> memref<80x128xf32, #tpu.memory_space<vmem_shared>>
      %dma_start3A_35 = arith.constant 0 : i32
      %dma_start3A_36 = tpu.memref_slice %arg10[%add3A_4, %dma_start3A_35] : memref<10000x128xf32, #tpu.memory_space<vmem_shared>> -> memref<80x128xf32, #tpu.memory_space<vmem_shared>>
      tpu.enqueue_dma source(%arg9 : memref<80x128xf32, #tpu.memory_space<vmem>>) target(%dma_start3A_36 : memref<80x128xf32, #tpu.memory_space<vmem_shared>>) target_semaphore(%run_scoped3A : memref<!tpu.dma_semaphore, #tpu.memory_space<semaphore_mem>>)
      %dma_wait3A = arith.constant 0 : i32
      %dma_wait3A_37 = tpu.memref_slice %arg10[%add3A_4, %dma_wait3A] : memref<10000x128xf32, #tpu.memory_space<vmem_shared>> -> memref<80x128xf32, #tpu.memory_space<vmem_shared>>
      %dma_wait3A_38 = arith.constant 0 : i32
      %dma_wait3A_39 = tpu.memref_slice %arg10[%add3A_4, %dma_wait3A_38] : memref<10000x128xf32, #tpu.memory_space<vmem_shared>> -> memref<80x128xf32, #tpu.memory_space<vmem_shared>>
      tpu.wait_dma2 semaphore(%run_scoped3A : memref<!tpu.dma_semaphore, #tpu.memory_space<semaphore_mem>>) src(%arg9 : memref<80x128xf32, #tpu.memory_space<vmem>>) dst(%dma_wait3A_39 : memref<80x128xf32, #tpu.memory_space<vmem_shared>>)
      tpu.yield
    }) : () -> ()
    %add3A_5 = arith.constant 80 : i32
    %add3A_6 = arith.addi %mul3A_2, %add3A_5 : i32
    "tpu.region"() ({
      %run_scoped3A = tpu.sem_alloc : memref<!tpu.dma_semaphore, #tpu.memory_space<semaphore_mem>>
      %dma_start3A = arith.constant 0 : i32
      %dma_start3A_34 = tpu.memref_slice %arg10[%add3A_6, %dma_start3A] : memref<10000x128xf32, #tpu.memory_space<vmem_shared>> -> memref<80x128xf32, #tpu.memory_space<vmem_shared>>
      %dma_start3A_35 = arith.constant 0 : i32
      %dma_start3A_36 = tpu.memref_slice %arg10[%add3A_6, %dma_start3A_35] : memref<10000x128xf32, #tpu.memory_space<vmem_shared>> -> memref<80x128xf32, #tpu.memory_space<vmem_shared>>
      tpu.enqueue_dma source(%arg9 : memref<80x128xf32, #tpu.memory_space<vmem>>) target(%dma_start3A_36 : memref<80x128xf32, #tpu.memory_space<vmem_shared>>) target_semaphore(%run_scoped3A : memref<!tpu.dma_semaphore, #tpu.memory_space<semaphore_mem>>)
      %dma_wait3A = arith.constant 0 : i32
      %dma_wait3A_37 = tpu.memref_slice %arg10[%add3A_6, %dma_wait3A] : memref<10000x128xf32, #tpu.memory_space<vmem_shared>> -> memref<80x128xf32, #tpu.memory_space<vmem_shared>>
      %dma_wait3A_38 = arith.constant 0 : i32
      %dma_wait3A_39 = tpu.memref_slice %arg10[%add3A_6, %dma_wait3A_38] : memref<10000x128xf32, #tpu.memory_space<vmem_shared>> -> memref<80x128xf32, #tpu.memory_space<vmem_shared>>
      tpu.wait_dma2 semaphore(%run_scoped3A : memref<!tpu.dma_semaphore, #tpu.memory_space<semaphore_mem>>) src(%arg9 : memref<80x128xf32, #tpu.memory_space<vmem>>) dst(%dma_wait3A_39 : memref<80x128xf32, #tpu.memory_space<vmem_shared>>)
      tpu.yield
    }) : () -> ()
    %add3A_7 = arith.constant 160 : i32
    %add3A_8 = arith.addi %mul3A_2, %add3A_7 : i32
    "tpu.region"() ({
      %run_scoped3A = tpu.sem_alloc : memref<!tpu.dma_semaphore, #tpu.memory_space<semaphore_mem>>
      %dma_start3A = arith.constant 0 : i32
      %dma_start3A_34 = tpu.memref_slice %arg10[%add3A_8, %dma_start3A] : memref<10000x128xf32, #tpu.memory_space<vmem_shared>> -> memref<80x128xf32, #tpu.memory_space<vmem_shared>>
      %dma_start3A_35 = arith.constant 0 : i32
      %dma_start3A_36 = tpu.memref_slice %arg10[%add3A_8, %dma_start3A_35] : memref<10000x128xf32, #tpu.memory_space<vmem_shared>> -> memref<80x128xf32, #tpu.memory_space<vmem_shared>>
      tpu.enqueue_dma source(%arg9 : memref<80x128xf32, #tpu.memory_space<vmem>>) target(%dma_start3A_36 : memref<80x128xf32, #tpu.memory_space<vmem_shared>>) target_semaphore(%run_scoped3A : memref<!tpu.dma_semaphore, #tpu.memory_space<semaphore_mem>>)
      %dma_wait3A = arith.constant 0 : i32
      %dma_wait3A_37 = tpu.memref_slice %arg10[%add3A_8, %dma_wait3A] : memref<10000x128xf32, #tpu.memory_space<vmem_shared>> -> memref<80x128xf32, #tpu.memory_space<vmem_shared>>
      %dma_wait3A_38 = arith.constant 0 : i32
      %dma_wait3A_39 = tpu.memref_slice %arg10[%add3A_8, %dma_wait3A_38] : memref<10000x128xf32, #tpu.memory_space<vmem_shared>> -> memref<80x128xf32, #tpu.memory_space<vmem_shared>>
      tpu.wait_dma2 semaphore(%run_scoped3A : memref<!tpu.dma_semaphore, #tpu.memory_space<semaphore_mem>>) src(%arg9 : memref<80x128xf32, #tpu.memory_space<vmem>>) dst(%dma_wait3A_39 : memref<80x128xf32, #tpu.memory_space<vmem_shared>>)
      tpu.yield
    }) : () -> ()
    %add3A_9 = arith.constant 240 : i32
    %add3A_10 = arith.addi %mul3A_2, %add3A_9 : i32
    "tpu.region"() ({
      %run_scoped3A = tpu.sem_alloc : memref<!tpu.dma_semaphore, #tpu.memory_space<semaphore_mem>>
      %dma_start3A = arith.constant 0 : i32
      %dma_start3A_34 = tpu.memref_slice %arg10[%add3A_10, %dma_start3A] : memref<10000x128xf32, #tpu.memory_space<vmem_shared>> -> memref<80x128xf32, #tpu.memory_space<vmem_shared>>
      %dma_start3A_35 = arith.constant 0 : i32
      %dma_start3A_36 = tpu.memref_slice %arg10[%add3A_10, %dma_start3A_35] : memref<10000x128xf32, #tpu.memory_space<vmem_shared>> -> memref<80x128xf32, #tpu.memory_space<vmem_shared>>
      tpu.enqueue_dma source(%arg9 : memref<80x128xf32, #tpu.memory_space<vmem>>) target(%dma_start3A_36 : memref<80x128xf32, #tpu.memory_space<vmem_shared>>) target_semaphore(%run_scoped3A : memref<!tpu.dma_semaphore, #tpu.memory_space<semaphore_mem>>)
      %dma_wait3A = arith.constant 0 : i32
      %dma_wait3A_37 = tpu.memref_slice %arg10[%add3A_10, %dma_wait3A] : memref<10000x128xf32, #tpu.memory_space<vmem_shared>> -> memref<80x128xf32, #tpu.memory_space<vmem_shared>>
      %dma_wait3A_38 = arith.constant 0 : i32
      %dma_wait3A_39 = tpu.memref_slice %arg10[%add3A_10, %dma_wait3A_38] : memref<10000x128xf32, #tpu.memory_space<vmem_shared>> -> memref<80x128xf32, #tpu.memory_space<vmem_shared>>
      tpu.wait_dma2 semaphore(%run_scoped3A : memref<!tpu.dma_semaphore, #tpu.memory_space<semaphore_mem>>) src(%arg9 : memref<80x128xf32, #tpu.memory_space<vmem>>) dst(%dma_wait3A_39 : memref<80x128xf32, #tpu.memory_space<vmem_shared>>)
      tpu.yield
    }) : () -> ()
    %add3A_11 = arith.constant 320 : i32
    %add3A_12 = arith.addi %mul3A_2, %add3A_11 : i32
    "tpu.region"() ({
      %run_scoped3A = tpu.sem_alloc : memref<!tpu.dma_semaphore, #tpu.memory_space<semaphore_mem>>
      %dma_start3A = arith.constant 0 : i32
      %dma_start3A_34 = tpu.memref_slice %arg10[%add3A_12, %dma_start3A] : memref<10000x128xf32, #tpu.memory_space<vmem_shared>> -> memref<80x128xf32, #tpu.memory_space<vmem_shared>>
      %dma_start3A_35 = arith.constant 0 : i32
      %dma_start3A_36 = tpu.memref_slice %arg10[%add3A_12, %dma_start3A_35] : memref<10000x128xf32, #tpu.memory_space<vmem_shared>> -> memref<80x128xf32, #tpu.memory_space<vmem_shared>>
      tpu.enqueue_dma source(%arg9 : memref<80x128xf32, #tpu.memory_space<vmem>>) target(%dma_start3A_36 : memref<80x128xf32, #tpu.memory_space<vmem_shared>>) target_semaphore(%run_scoped3A : memref<!tpu.dma_semaphore, #tpu.memory_space<semaphore_mem>>)
      %dma_wait3A = arith.constant 0 : i32
      %dma_wait3A_37 = tpu.memref_slice %arg10[%add3A_12, %dma_wait3A] : memref<10000x128xf32, #tpu.memory_space<vmem_shared>> -> memref<80x128xf32, #tpu.memory_space<vmem_shared>>
      %dma_wait3A_38 = arith.constant 0 : i32
      %dma_wait3A_39 = tpu.memref_slice %arg10[%add3A_12, %dma_wait3A_38] : memref<10000x128xf32, #tpu.memory_space<vmem_shared>> -> memref<80x128xf32, #tpu.memory_space<vmem_shared>>
      tpu.wait_dma2 semaphore(%run_scoped3A : memref<!tpu.dma_semaphore, #tpu.memory_space<semaphore_mem>>) src(%arg9 : memref<80x128xf32, #tpu.memory_space<vmem>>) dst(%dma_wait3A_39 : memref<80x128xf32, #tpu.memory_space<vmem_shared>>)
      tpu.yield
    }) : () -> ()
    %add3A_13 = arith.constant 400 : i32
    %add3A_14 = arith.addi %mul3A_2, %add3A_13 : i32
    "tpu.region"() ({
      %run_scoped3A = tpu.sem_alloc : memref<!tpu.dma_semaphore, #tpu.memory_space<semaphore_mem>>
      %dma_start3A = arith.constant 0 : i32
      %dma_start3A_34 = tpu.memref_slice %arg10[%add3A_14, %dma_start3A] : memref<10000x128xf32, #tpu.memory_space<vmem_shared>> -> memref<80x128xf32, #tpu.memory_space<vmem_shared>>
      %dma_start3A_35 = arith.constant 0 : i32
      %dma_start3A_36 = tpu.memref_slice %arg10[%add3A_14, %dma_start3A_35] : memref<10000x128xf32, #tpu.memory_space<vmem_shared>> -> memref<80x128xf32, #tpu.memory_space<vmem_shared>>
      tpu.enqueue_dma source(%arg9 : memref<80x128xf32, #tpu.memory_space<vmem>>) target(%dma_start3A_36 : memref<80x128xf32, #tpu.memory_space<vmem_shared>>) target_semaphore(%run_scoped3A : memref<!tpu.dma_semaphore, #tpu.memory_space<semaphore_mem>>)
      %dma_wait3A = arith.constant 0 : i32
      %dma_wait3A_37 = tpu.memref_slice %arg10[%add3A_14, %dma_wait3A] : memref<10000x128xf32, #tpu.memory_space<vmem_shared>> -> memref<80x128xf32, #tpu.memory_space<vmem_shared>>
      %dma_wait3A_38 = arith.constant 0 : i32
      %dma_wait3A_39 = tpu.memref_slice %arg10[%add3A_14, %dma_wait3A_38] : memref<10000x128xf32, #tpu.memory_space<vmem_shared>> -> memref<80x128xf32, #tpu.memory_space<vmem_shared>>
      tpu.wait_dma2 semaphore(%run_scoped3A : memref<!tpu.dma_semaphore, #tpu.memory_space<semaphore_mem>>) src(%arg9 : memref<80x128xf32, #tpu.memory_space<vmem>>) dst(%dma_wait3A_39 : memref<80x128xf32, #tpu.memory_space<vmem_shared>>)
      tpu.yield
    }) : () -> ()
    %add3A_15 = arith.constant 480 : i32
    %add3A_16 = arith.addi %mul3A_2, %add3A_15 : i32
    "tpu.region"() ({
      %run_scoped3A = tpu.sem_alloc : memref<!tpu.dma_semaphore, #tpu.memory_space<semaphore_mem>>
      %dma_start3A = arith.constant 0 : i32
      %dma_start3A_34 = tpu.memref_slice %arg10[%add3A_16, %dma_start3A] : memref<10000x128xf32, #tpu.memory_space<vmem_shared>> -> memref<80x128xf32, #tpu.memory_space<vmem_shared>>
      %dma_start3A_35 = arith.constant 0 : i32
      %dma_start3A_36 = tpu.memref_slice %arg10[%add3A_16, %dma_start3A_35] : memref<10000x128xf32, #tpu.memory_space<vmem_shared>> -> memref<80x128xf32, #tpu.memory_space<vmem_shared>>
      tpu.enqueue_dma source(%arg9 : memref<80x128xf32, #tpu.memory_space<vmem>>) target(%dma_start3A_36 : memref<80x128xf32, #tpu.memory_space<vmem_shared>>) target_semaphore(%run_scoped3A : memref<!tpu.dma_semaphore, #tpu.memory_space<semaphore_mem>>)
      %dma_wait3A = arith.constant 0 : i32
      %dma_wait3A_37 = tpu.memref_slice %arg10[%add3A_16, %dma_wait3A] : memref<10000x128xf32, #tpu.memory_space<vmem_shared>> -> memref<80x128xf32, #tpu.memory_space<vmem_shared>>
      %dma_wait3A_38 = arith.constant 0 : i32
      %dma_wait3A_39 = tpu.memref_slice %arg10[%add3A_16, %dma_wait3A_38] : memref<10000x128xf32, #tpu.memory_space<vmem_shared>> -> memref<80x128xf32, #tpu.memory_space<vmem_shared>>
      tpu.wait_dma2 semaphore(%run_scoped3A : memref<!tpu.dma_semaphore, #tpu.memory_space<semaphore_mem>>) src(%arg9 : memref<80x128xf32, #tpu.memory_space<vmem>>) dst(%dma_wait3A_39 : memref<80x128xf32, #tpu.memory_space<vmem_shared>>)
      tpu.yield
    }) : () -> ()
    %add3A_17 = arith.constant 560 : i32
    %add3A_18 = arith.addi %mul3A_2, %add3A_17 : i32
    "tpu.region"() ({
      %run_scoped3A = tpu.sem_alloc : memref<!tpu.dma_semaphore, #tpu.memory_space<semaphore_mem>>
      %dma_start3A = arith.constant 0 : i32
      %dma_start3A_34 = arith.constant 0 : i32
      %dma_start3A_35 = tpu.memref_slice %arg9[%dma_start3A, %dma_start3A_34] : memref<80x128xf32, #tpu.memory_space<vmem>> -> memref<64x128xf32, #tpu.memory_space<vmem>>
      %dma_start3A_36 = arith.constant 0 : i32
      %dma_start3A_37 = tpu.memref_slice %arg10[%add3A_18, %dma_start3A_36] : memref<10000x128xf32, #tpu.memory_space<vmem_shared>> -> memref<64x128xf32, #tpu.memory_space<vmem_shared>>
      %dma_start3A_38 = arith.constant 0 : i32
      %dma_start3A_39 = tpu.memref_slice %arg10[%add3A_18, %dma_start3A_38] : memref<10000x128xf32, #tpu.memory_space<vmem_shared>> -> memref<64x128xf32, #tpu.memory_space<vmem_shared>>
      %dma_start3A_40 = arith.constant 0 : i32
      %dma_start3A_41 = arith.constant 0 : i32
      %dma_start3A_42 = tpu.memref_slice %arg9[%dma_start3A_40, %dma_start3A_41] : memref<80x128xf32, #tpu.memory_space<vmem>> -> memref<64x128xf32, #tpu.memory_space<vmem>>
      tpu.enqueue_dma source(%dma_start3A_42 : memref<64x128xf32, #tpu.memory_space<vmem>>) target(%dma_start3A_39 : memref<64x128xf32, #tpu.memory_space<vmem_shared>>) target_semaphore(%run_scoped3A : memref<!tpu.dma_semaphore, #tpu.memory_space<semaphore_mem>>)
      %dma_wait3A = arith.constant 0 : i32
      %dma_wait3A_43 = arith.constant 0 : i32
      %dma_wait3A_44 = tpu.memref_slice %arg9[%dma_wait3A, %dma_wait3A_43] : memref<80x128xf32, #tpu.memory_space<vmem>> -> memref<64x128xf32, #tpu.memory_space<vmem>>
      %dma_wait3A_45 = arith.constant 0 : i32
      %dma_wait3A_46 = tpu.memref_slice %arg10[%add3A_18, %dma_wait3A_45] : memref<10000x128xf32, #tpu.memory_space<vmem_shared>> -> memref<64x128xf32, #tpu.memory_space<vmem_shared>>
      %dma_wait3A_47 = arith.constant 0 : i32
      %dma_wait3A_48 = tpu.memref_slice %arg10[%add3A_18, %dma_wait3A_47] : memref<10000x128xf32, #tpu.memory_space<vmem_shared>> -> memref<64x128xf32, #tpu.memory_space<vmem_shared>>
      %dma_wait3A_49 = arith.constant 0 : i32
      %dma_wait3A_50 = arith.constant 0 : i32
      %dma_wait3A_51 = tpu.memref_slice %arg9[%dma_wait3A_49, %dma_wait3A_50] : memref<80x128xf32, #tpu.memory_space<vmem>> -> memref<64x128xf32, #tpu.memory_space<vmem>>
      tpu.wait_dma2 semaphore(%run_scoped3A : memref<!tpu.dma_semaphore, #tpu.memory_space<semaphore_mem>>) src(%dma_wait3A_51 : memref<64x128xf32, #tpu.memory_space<vmem>>) dst(%dma_wait3A_48 : memref<64x128xf32, #tpu.memory_space<vmem_shared>>)
      tpu.yield
    }) : () -> ()
    %eq3A = arith.constant 15 : i32
    %eq3A_19 = arith.cmpi eq, %arg1, %eq3A : i32
    %convert_element_type3A = arith.extui %eq3A_19 : i1 to i32
    %cond3A = arith.constant 0 : i32
    %cond3A_20 = arith.cmpi ne, %convert_element_type3A, %cond3A : i32
    scf.if %cond3A_20 {
      "tpu.region"() ({
        %run_scoped3A = tpu.sem_alloc : memref<!tpu.dma_semaphore, #tpu.memory_space<semaphore_mem>>
        %dma_start3A = arith.constant 0 : i32
        %dma_start3A_34 = arith.constant 0 : i32
        %dma_start3A_35 = tpu.memref_slice %arg9[%dma_start3A, %dma_start3A_34] : memref<80x128xf32, #tpu.memory_space<vmem>> -> memref<16x128xf32, #tpu.memory_space<vmem>>
        %dma_start3A_36 = arith.constant 9984 : i32
        %dma_start3A_37 = arith.constant 0 : i32
        %dma_start3A_38 = tpu.memref_slice %arg10[%dma_start3A_36, %dma_start3A_37] : memref<10000x128xf32, #tpu.memory_space<vmem_shared>> -> memref<16x128xf32, #tpu.memory_space<vmem_shared>>
        %dma_start3A_39 = arith.constant 9984 : i32
        %dma_start3A_40 = arith.constant 0 : i32
        %dma_start3A_41 = tpu.memref_slice %arg10[%dma_start3A_39, %dma_start3A_40] : memref<10000x128xf32, #tpu.memory_space<vmem_shared>> -> memref<16x128xf32, #tpu.memory_space<vmem_shared>>
        %dma_start3A_42 = arith.constant 0 : i32
        %dma_start3A_43 = arith.constant 0 : i32
        %dma_start3A_44 = tpu.memref_slice %arg9[%dma_start3A_42, %dma_start3A_43] : memref<80x128xf32, #tpu.memory_space<vmem>> -> memref<16x128xf32, #tpu.memory_space<vmem>>
        tpu.enqueue_dma source(%dma_start3A_44 : memref<16x128xf32, #tpu.memory_space<vmem>>) target(%dma_start3A_41 : memref<16x128xf32, #tpu.memory_space<vmem_shared>>) target_semaphore(%run_scoped3A : memref<!tpu.dma_semaphore, #tpu.memory_space<semaphore_mem>>)
        %dma_wait3A = arith.constant 0 : i32
        %dma_wait3A_45 = arith.constant 0 : i32
        %dma_wait3A_46 = tpu.memref_slice %arg9[%dma_wait3A, %dma_wait3A_45] : memref<80x128xf32, #tpu.memory_space<vmem>> -> memref<16x128xf32, #tpu.memory_space<vmem>>
        %dma_wait3A_47 = arith.constant 9984 : i32
        %dma_wait3A_48 = arith.constant 0 : i32
        %dma_wait3A_49 = tpu.memref_slice %arg10[%dma_wait3A_47, %dma_wait3A_48] : memref<10000x128xf32, #tpu.memory_space<vmem_shared>> -> memref<16x128xf32, #tpu.memory_space<vmem_shared>>
        %dma_wait3A_50 = arith.constant 9984 : i32
        %dma_wait3A_51 = arith.constant 0 : i32
        %dma_wait3A_52 = tpu.memref_slice %arg10[%dma_wait3A_50, %dma_wait3A_51] : memref<10000x128xf32, #tpu.memory_space<vmem_shared>> -> memref<16x128xf32, #tpu.memory_space<vmem_shared>>
        %dma_wait3A_53 = arith.constant 0 : i32
        %dma_wait3A_54 = arith.constant 0 : i32
        %dma_wait3A_55 = tpu.memref_slice %arg9[%dma_wait3A_53, %dma_wait3A_54] : memref<80x128xf32, #tpu.memory_space<vmem>> -> memref<16x128xf32, #tpu.memory_space<vmem>>
        tpu.wait_dma2 semaphore(%run_scoped3A : memref<!tpu.dma_semaphore, #tpu.memory_space<semaphore_mem>>) src(%dma_wait3A_55 : memref<16x128xf32, #tpu.memory_space<vmem>>) dst(%dma_wait3A_52 : memref<16x128xf32, #tpu.memory_space<vmem_shared>>)
        tpu.yield
      }) : () -> ()
    } else {
    }
    "tpu.region"() ({
      %run_scoped3A = tpu.sem_alloc : memref<!tpu.dma_semaphore, #tpu.memory_space<semaphore_mem>>
      %dma_start3A = arith.constant 0 : i32
      %dma_start3A_34 = arith.constant 0 : i32
      %dma_start3A_35 = tpu.memref_slice %arg9[%dma_start3A, %dma_start3A_34] : memref<80x128xf32, #tpu.memory_space<vmem>> -> memref<8x128xf32, #tpu.memory_space<vmem>>
      %dma_start3A_36 = arith.constant 0 : i32
      %dma_start3A_37 = tpu.memref_slice %arg10[%mul3A_2, %dma_start3A_36] : memref<10000x128xf32, #tpu.memory_space<vmem_shared>> -> memref<8x128xf32, #tpu.memory_space<vmem_shared>>
      %dma_start3A_38 = arith.constant 0 : i32
      %dma_start3A_39 = arith.constant 0 : i32
      %dma_start3A_40 = tpu.memref_slice %arg9[%dma_start3A_38, %dma_start3A_39] : memref<80x128xf32, #tpu.memory_space<vmem>> -> memref<8x128xf32, #tpu.memory_space<vmem>>
      %dma_start3A_41 = arith.constant 0 : i32
      %dma_start3A_42 = tpu.memref_slice %arg10[%mul3A_2, %dma_start3A_41] : memref<10000x128xf32, #tpu.memory_space<vmem_shared>> -> memref<8x128xf32, #tpu.memory_space<vmem_shared>>
      tpu.enqueue_dma source(%dma_start3A_42 : memref<8x128xf32, #tpu.memory_space<vmem_shared>>) target(%dma_start3A_40 : memref<8x128xf32, #tpu.memory_space<vmem>>) target_semaphore(%run_scoped3A : memref<!tpu.dma_semaphore, #tpu.memory_space<semaphore_mem>>)
      %dma_wait3A = arith.constant 0 : i32
      %dma_wait3A_43 = arith.constant 0 : i32
      %dma_wait3A_44 = tpu.memref_slice %arg9[%dma_wait3A, %dma_wait3A_43] : memref<80x128xf32, #tpu.memory_space<vmem>> -> memref<8x128xf32, #tpu.memory_space<vmem>>
      %dma_wait3A_45 = arith.constant 0 : i32
      %dma_wait3A_46 = tpu.memref_slice %arg10[%mul3A_2, %dma_wait3A_45] : memref<10000x128xf32, #tpu.memory_space<vmem_shared>> -> memref<8x128xf32, #tpu.memory_space<vmem_shared>>
      %dma_wait3A_47 = arith.constant 0 : i32
      %dma_wait3A_48 = arith.constant 0 : i32
      %dma_wait3A_49 = tpu.memref_slice %arg9[%dma_wait3A_47, %dma_wait3A_48] : memref<80x128xf32, #tpu.memory_space<vmem>> -> memref<8x128xf32, #tpu.memory_space<vmem>>
      %dma_wait3A_50 = arith.constant 0 : i32
      %dma_wait3A_51 = tpu.memref_slice %arg10[%mul3A_2, %dma_wait3A_50] : memref<10000x128xf32, #tpu.memory_space<vmem_shared>> -> memref<8x128xf32, #tpu.memory_space<vmem_shared>>
      tpu.wait_dma2 semaphore(%run_scoped3A : memref<!tpu.dma_semaphore, #tpu.memory_space<semaphore_mem>>) src(%dma_wait3A_51 : memref<8x128xf32, #tpu.memory_space<vmem_shared>>) dst(%dma_wait3A_49 : memref<8x128xf32, #tpu.memory_space<vmem>>)
      tpu.yield
    }) : () -> ()
    %barrier3A = arith.constant 0 : index
    tpu.barrier barrier_id(%barrier3A)
    "tpu.region"() ({
      %run_scoped3A = tpu.sem_alloc : memref<!tpu.dma_semaphore, #tpu.memory_space<semaphore_mem>>
      %dma_start3A = arith.constant 0 : i32
      %dma_start3A_34 = arith.constant 0 : i32
      %dma_start3A_35 = tpu.memref_slice %arg2[%add3A, %dma_start3A, %dma_start3A_34] : memref<32x125x80xi32, #tpu.memory_space<hbm>> -> memref<1x125x80xi32, #tpu.memory_space<hbm>>
      %dma_start3A_36 = tpu.memref_squeeze %dma_start3A_35 : memref<1x125x80xi32, #tpu.memory_space<hbm>> -> memref<125x80xi32, #tpu.memory_space<hbm>>
      %dma_start3A_37 = arith.constant 0 : i32
      %dma_start3A_38 = arith.constant 0 : i32
      %dma_start3A_39 = tpu.memref_slice %arg2[%add3A, %dma_start3A_37, %dma_start3A_38] : memref<32x125x80xi32, #tpu.memory_space<hbm>> -> memref<1x125x80xi32, #tpu.memory_space<hbm>>
      %dma_start3A_40 = tpu.memref_squeeze %dma_start3A_39 : memref<1x125x80xi32, #tpu.memory_space<hbm>> -> memref<125x80xi32, #tpu.memory_space<hbm>>
      tpu.enqueue_dma source(%dma_start3A_40 : memref<125x80xi32, #tpu.memory_space<hbm>>) target(%arg7 : memref<125x80xi32, #tpu.memory_space<vmem>>) target_semaphore(%run_scoped3A : memref<!tpu.dma_semaphore, #tpu.memory_space<semaphore_mem>>)
      %dma_wait3A = arith.constant 0 : i32
      %dma_wait3A_41 = arith.constant 0 : i32
      %dma_wait3A_42 = tpu.memref_slice %arg2[%add3A, %dma_wait3A, %dma_wait3A_41] : memref<32x125x80xi32, #tpu.memory_space<hbm>> -> memref<1x125x80xi32, #tpu.memory_space<hbm>>
      %dma_wait3A_43 = tpu.memref_squeeze %dma_wait3A_42 : memref<1x125x80xi32, #tpu.memory_space<hbm>> -> memref<125x80xi32, #tpu.memory_space<hbm>>
      %dma_wait3A_44 = arith.constant 0 : i32
      %dma_wait3A_45 = arith.constant 0 : i32
      %dma_wait3A_46 = tpu.memref_slice %arg2[%add3A, %dma_wait3A_44, %dma_wait3A_45] : memref<32x125x80xi32, #tpu.memory_space<hbm>> -> memref<1x125x80xi32, #tpu.memory_space<hbm>>
      %dma_wait3A_47 = tpu.memref_squeeze %dma_wait3A_46 : memref<1x125x80xi32, #tpu.memory_space<hbm>> -> memref<125x80xi32, #tpu.memory_space<hbm>>
      tpu.wait_dma2 semaphore(%run_scoped3A : memref<!tpu.dma_semaphore, #tpu.memory_space<semaphore_mem>>) src(%dma_wait3A_47 : memref<125x80xi32, #tpu.memory_space<hbm>>) dst(%arg7 : memref<125x80xi32, #tpu.memory_space<vmem>>)
      tpu.yield
    }) : () -> ()
    "tpu.region"() ({
      %run_scoped3A = tpu.sem_alloc : memref<!tpu.dma_semaphore, #tpu.memory_space<semaphore_mem>>
      %dma_start3A = arith.constant 0 : i32
      %dma_start3A_34 = arith.constant 0 : i32
      %dma_start3A_35 = tpu.memref_slice %arg3[%add3A, %dma_start3A, %dma_start3A_34] : memref<32x125x80xi32, #tpu.memory_space<hbm>> -> memref<1x125x80xi32, #tpu.memory_space<hbm>>
      %dma_start3A_36 = tpu.memref_squeeze %dma_start3A_35 : memref<1x125x80xi32, #tpu.memory_space<hbm>> -> memref<125x80xi32, #tpu.memory_space<hbm>>
      %dma_start3A_37 = arith.constant 0 : i32
      %dma_start3A_38 = arith.constant 0 : i32
      %dma_start3A_39 = tpu.memref_slice %arg3[%add3A, %dma_start3A_37, %dma_start3A_38] : memref<32x125x80xi32, #tpu.memory_space<hbm>> -> memref<1x125x80xi32, #tpu.memory_space<hbm>>
      %dma_start3A_40 = tpu.memref_squeeze %dma_start3A_39 : memref<1x125x80xi32, #tpu.memory_space<hbm>> -> memref<125x80xi32, #tpu.memory_space<hbm>>
      tpu.enqueue_dma source(%dma_start3A_40 : memref<125x80xi32, #tpu.memory_space<hbm>>) target(%arg8 : memref<125x80xi32, #tpu.memory_space<vmem>>) target_semaphore(%run_scoped3A : memref<!tpu.dma_semaphore, #tpu.memory_space<semaphore_mem>>)
      %dma_wait3A = arith.constant 0 : i32
      %dma_wait3A_41 = arith.constant 0 : i32
      %dma_wait3A_42 = tpu.memref_slice %arg3[%add3A, %dma_wait3A, %dma_wait3A_41] : memref<32x125x80xi32, #tpu.memory_space<hbm>> -> memref<1x125x80xi32, #tpu.memory_space<hbm>>
      %dma_wait3A_43 = tpu.memref_squeeze %dma_wait3A_42 : memref<1x125x80xi32, #tpu.memory_space<hbm>> -> memref<125x80xi32, #tpu.memory_space<hbm>>
      %dma_wait3A_44 = arith.constant 0 : i32
      %dma_wait3A_45 = arith.constant 0 : i32
      %dma_wait3A_46 = tpu.memref_slice %arg3[%add3A, %dma_wait3A_44, %dma_wait3A_45] : memref<32x125x80xi32, #tpu.memory_space<hbm>> -> memref<1x125x80xi32, #tpu.memory_space<hbm>>
      %dma_wait3A_47 = tpu.memref_squeeze %dma_wait3A_46 : memref<1x125x80xi32, #tpu.memory_space<hbm>> -> memref<125x80xi32, #tpu.memory_space<hbm>>
      tpu.wait_dma2 semaphore(%run_scoped3A : memref<!tpu.dma_semaphore, #tpu.memory_space<semaphore_mem>>) src(%dma_wait3A_47 : memref<125x80xi32, #tpu.memory_space<hbm>>) dst(%arg8 : memref<125x80xi32, #tpu.memory_space<vmem>>)
      tpu.yield
    }) : () -> ()
    %barrier3A_21 = arith.constant 0 : index
    tpu.barrier barrier_id(%barrier3A_21)
    %scan3A = arith.constant 0 : i32
    %scan3A_22 = arith.constant 0 : i32
    %scan3A_23 = arith.constant 125 : i32
    %scan3A_24 = arith.addi %scan3A_22, %scan3A_23 : i32
    %scan3A_25 = arith.constant 1 : i32
    %scan3A_26 = scf.for %scan3A_34 = %scan3A_22 to %scan3A_24 step %scan3A_25 iter_args(%scan3A_35 = %scan3A) -> (i32)  : i32 {
      %dma_start3A = arith.constant 0 : i32
      %dma_start3A_36 = tpu.memref_slice %arg7[%scan3A_34, %dma_start3A] : memref<125x80xi32, #tpu.memory_space<vmem>> -> memref<1x80xi32, #tpu.memory_space<vmem>>
      %dma_start3A_37 = tpu.memref_squeeze %dma_start3A_36 : memref<1x80xi32, #tpu.memory_space<vmem>> -> memref<80xi32, #tpu.memory_space<vmem>>
      %dma_start3A_38 = arith.constant 0 : i32
      %dma_start3A_39 = arith.constant 0 : i32
      %dma_start3A_40 = tpu.memref_slice %arg4[%dma_start3A_38, %dma_start3A_39] : memref<10000x128xf32, #tpu.memory_space<hbm>> -> memref<10000x128xf32, #tpu.memory_space<hbm>>
      tpu.enqueue_indirect_dma source(%dma_start3A_40 : memref<10000x128xf32, #tpu.memory_space<hbm>>) target(%arg9 : memref<80x128xf32, #tpu.memory_space<vmem>>) offsets(%dma_start3A_37 : memref<80xi32, #tpu.memory_space<vmem>>) semaphore(%arg11 : memref<!tpu.dma_semaphore, #tpu.memory_space<semaphore_mem>>)
      %dma_wait3A = arith.constant 0 : i32
      %dma_wait3A_41 = tpu.memref_slice %arg7[%scan3A_34, %dma_wait3A] : memref<125x80xi32, #tpu.memory_space<vmem>> -> memref<1x80xi32, #tpu.memory_space<vmem>>
      %dma_wait3A_42 = tpu.memref_squeeze %dma_wait3A_41 : memref<1x80xi32, #tpu.memory_space<vmem>> -> memref<80xi32, #tpu.memory_space<vmem>>
      %dma_wait3A_43 = arith.constant 0 : i32
      %dma_wait3A_44 = arith.constant 0 : i32
      %dma_wait3A_45 = tpu.memref_slice %arg4[%dma_wait3A_43, %dma_wait3A_44] : memref<10000x128xf32, #tpu.memory_space<hbm>> -> memref<10000x128xf32, #tpu.memory_space<hbm>>
      tpu.wait_indirect_dma semaphore(%arg11 : memref<!tpu.dma_semaphore, #tpu.memory_space<semaphore_mem>>) src(%dma_wait3A_45 : memref<10000x128xf32, #tpu.memory_space<hbm>>) dst(%arg9 : memref<80x128xf32, #tpu.memory_space<vmem>>)
      "tpu.region"() ({
        %run_scoped3A = tpu.sem_alloc : memref<!tpu.dma_semaphore, #tpu.memory_space<semaphore_mem>>
        %dma_start3A_47 = arith.constant 0 : i32
        %dma_start3A_48 = tpu.memref_slice %arg8[%scan3A_34, %dma_start3A_47] : memref<125x80xi32, #tpu.memory_space<vmem>> -> memref<1x80xi32, #tpu.memory_space<vmem>>
        %dma_start3A_49 = tpu.memref_squeeze %dma_start3A_48 : memref<1x80xi32, #tpu.memory_space<vmem>> -> memref<80xi32, #tpu.memory_space<vmem>>
        %dma_start3A_50 = arith.constant 0 : i32
        %dma_start3A_51 = arith.constant 0 : i32
        %dma_start3A_52 = tpu.memref_slice %arg10[%dma_start3A_50, %dma_start3A_51] : memref<10000x128xf32, #tpu.memory_space<vmem_shared>> -> memref<10000x128xf32, #tpu.memory_space<vmem_shared>>
        tpu.enqueue_indirect_dma source(%arg9 : memref<80x128xf32, #tpu.memory_space<vmem>>) target(%dma_start3A_52 : memref<10000x128xf32, #tpu.memory_space<vmem_shared>>) offsets(%dma_start3A_49 : memref<80xi32, #tpu.memory_space<vmem>>) semaphore(%run_scoped3A : memref<!tpu.dma_semaphore, #tpu.memory_space<semaphore_mem>>) {add = true}
        %dma_wait3A_53 = arith.constant 0 : i32
        %dma_wait3A_54 = tpu.memref_slice %arg8[%scan3A_34, %dma_wait3A_53] : memref<125x80xi32, #tpu.memory_space<vmem>> -> memref<1x80xi32, #tpu.memory_space<vmem>>
        %dma_wait3A_55 = tpu.memref_squeeze %dma_wait3A_54 : memref<1x80xi32, #tpu.memory_space<vmem>> -> memref<80xi32, #tpu.memory_space<vmem>>
        %dma_wait3A_56 = arith.constant 0 : i32
        %dma_wait3A_57 = arith.constant 0 : i32
        %dma_wait3A_58 = tpu.memref_slice %arg10[%dma_wait3A_56, %dma_wait3A_57] : memref<10000x128xf32, #tpu.memory_space<vmem_shared>> -> memref<10000x128xf32, #tpu.memory_space<vmem_shared>>
        tpu.wait_indirect_dma semaphore(%run_scoped3A : memref<!tpu.dma_semaphore, #tpu.memory_space<semaphore_mem>>) src(%arg9 : memref<80x128xf32, #tpu.memory_space<vmem>>) dst(%dma_wait3A_58 : memref<10000x128xf32, #tpu.memory_space<vmem_shared>>)
        tpu.yield
      }) : () -> ()
      %scan3A_46 = arith.constant 0 : i32
      scf.yield %scan3A_46 : i32
    }
    %scan3A_27 = arith.constant 125 : i32
    "tpu.region"() ({
      %run_scoped3A = tpu.sem_alloc : memref<!tpu.dma_semaphore, #tpu.memory_space<semaphore_mem>>
      %dma_start3A = arith.constant 0 : i32
      %dma_start3A_34 = arith.constant 0 : i32
      %dma_start3A_35 = tpu.memref_slice %arg9[%dma_start3A, %dma_start3A_34] : memref<80x128xf32, #tpu.memory_space<vmem>> -> memref<8x128xf32, #tpu.memory_space<vmem>>
      %dma_start3A_36 = arith.constant 0 : i32
      %dma_start3A_37 = tpu.memref_slice %arg10[%mul3A_2, %dma_start3A_36] : memref<10000x128xf32, #tpu.memory_space<vmem_shared>> -> memref<8x128xf32, #tpu.memory_space<vmem_shared>>
      %dma_start3A_38 = arith.constant 0 : i32
      %dma_start3A_39 = arith.constant 0 : i32
      %dma_start3A_40 = tpu.memref_slice %arg9[%dma_start3A_38, %dma_start3A_39] : memref<80x128xf32, #tpu.memory_space<vmem>> -> memref<8x128xf32, #tpu.memory_space<vmem>>
      %dma_start3A_41 = arith.constant 0 : i32
      %dma_start3A_42 = tpu.memref_slice %arg10[%mul3A_2, %dma_start3A_41] : memref<10000x128xf32, #tpu.memory_space<vmem_shared>> -> memref<8x128xf32, #tpu.memory_space<vmem_shared>>
      tpu.enqueue_dma source(%dma_start3A_42 : memref<8x128xf32, #tpu.memory_space<vmem_shared>>) target(%dma_start3A_40 : memref<8x128xf32, #tpu.memory_space<vmem>>) target_semaphore(%run_scoped3A : memref<!tpu.dma_semaphore, #tpu.memory_space<semaphore_mem>>)
      %dma_wait3A = arith.constant 0 : i32
      %dma_wait3A_43 = arith.constant 0 : i32
      %dma_wait3A_44 = tpu.memref_slice %arg9[%dma_wait3A, %dma_wait3A_43] : memref<80x128xf32, #tpu.memory_space<vmem>> -> memref<8x128xf32, #tpu.memory_space<vmem>>
      %dma_wait3A_45 = arith.constant 0 : i32
      %dma_wait3A_46 = tpu.memref_slice %arg10[%mul3A_2, %dma_wait3A_45] : memref<10000x128xf32, #tpu.memory_space<vmem_shared>> -> memref<8x128xf32, #tpu.memory_space<vmem_shared>>
      %dma_wait3A_47 = arith.constant 0 : i32
      %dma_wait3A_48 = arith.constant 0 : i32
      %dma_wait3A_49 = tpu.memref_slice %arg9[%dma_wait3A_47, %dma_wait3A_48] : memref<80x128xf32, #tpu.memory_space<vmem>> -> memref<8x128xf32, #tpu.memory_space<vmem>>
      %dma_wait3A_50 = arith.constant 0 : i32
      %dma_wait3A_51 = tpu.memref_slice %arg10[%mul3A_2, %dma_wait3A_50] : memref<10000x128xf32, #tpu.memory_space<vmem_shared>> -> memref<8x128xf32, #tpu.memory_space<vmem_shared>>
      tpu.wait_dma2 semaphore(%run_scoped3A : memref<!tpu.dma_semaphore, #tpu.memory_space<semaphore_mem>>) src(%dma_wait3A_51 : memref<8x128xf32, #tpu.memory_space<vmem_shared>>) dst(%dma_wait3A_49 : memref<8x128xf32, #tpu.memory_space<vmem>>)
      tpu.yield
    }) : () -> ()
    %barrier3A_28 = arith.constant 0 : index
    tpu.barrier barrier_id(%barrier3A_28)
    "tpu.region"() ({
      %run_scoped3A = tpu.sem_alloc : memref<!tpu.dma_semaphore, #tpu.memory_space<semaphore_mem>>
      %dma_start3A = arith.constant 0 : i32
      %dma_start3A_34 = tpu.memref_slice %arg6[%arg0, %mul3A_2, %dma_start3A] : memref<2x10000x128xf32, #tpu.memory_space<hbm>> -> memref<1x624x128xf32, #tpu.memory_space<hbm>>
      %dma_start3A_35 = tpu.memref_squeeze %dma_start3A_34 : memref<1x624x128xf32, #tpu.memory_space<hbm>> -> memref<624x128xf32, #tpu.memory_space<hbm>>
      %dma_start3A_36 = arith.constant 0 : i32
      %dma_start3A_37 = tpu.memref_slice %arg10[%mul3A_2, %dma_start3A_36] : memref<10000x128xf32, #tpu.memory_space<vmem_shared>> -> memref<624x128xf32, #tpu.memory_space<vmem_shared>>
      tpu.enqueue_dma source(%dma_start3A_37 : memref<624x128xf32, #tpu.memory_space<vmem_shared>>) target(%dma_start3A_35 : memref<624x128xf32, #tpu.memory_space<hbm>>) target_semaphore(%run_scoped3A : memref<!tpu.dma_semaphore, #tpu.memory_space<semaphore_mem>>)
      %dma_wait3A = arith.constant 0 : i32
      %dma_wait3A_38 = tpu.memref_slice %arg6[%arg0, %mul3A_2, %dma_wait3A] : memref<2x10000x128xf32, #tpu.memory_space<hbm>> -> memref<1x624x128xf32, #tpu.memory_space<hbm>>
      %dma_wait3A_39 = tpu.memref_squeeze %dma_wait3A_38 : memref<1x624x128xf32, #tpu.memory_space<hbm>> -> memref<624x128xf32, #tpu.memory_space<hbm>>
      %dma_wait3A_40 = arith.constant 0 : i32
      %dma_wait3A_41 = tpu.memref_slice %arg10[%mul3A_2, %dma_wait3A_40] : memref<10000x128xf32, #tpu.memory_space<vmem_shared>> -> memref<624x128xf32, #tpu.memory_space<vmem_shared>>
      tpu.wait_dma2 semaphore(%run_scoped3A : memref<!tpu.dma_semaphore, #tpu.memory_space<semaphore_mem>>) src(%dma_wait3A_41 : memref<624x128xf32, #tpu.memory_space<vmem_shared>>) dst(%dma_wait3A_39 : memref<624x128xf32, #tpu.memory_space<hbm>>)
      tpu.yield
    }) : () -> ()
    %eq3A_29 = arith.constant 15 : i32
    %eq3A_30 = arith.cmpi eq, %arg1, %eq3A_29 : i32
    %convert_element_type3A_31 = arith.extui %eq3A_30 : i1 to i32
    %cond3A_32 = arith.constant 0 : i32
    %cond3A_33 = arith.cmpi ne, %convert_element_type3A_31, %cond3A_32 : i32
    scf.if %cond3A_33 {
      "tpu.region"() ({
        %run_scoped3A = tpu.sem_alloc : memref<!tpu.dma_semaphore, #tpu.memory_space<semaphore_mem>>
        %dma_start3A = arith.constant 9984 : i32
        %dma_start3A_34 = arith.constant 0 : i32
        %dma_start3A_35 = tpu.memref_slice %arg6[%arg0, %dma_start3A, %dma_start3A_34] : memref<2x10000x128xf32, #tpu.memory_space<hbm>> -> memref<1x16x128xf32, #tpu.memory_space<hbm>>
        %dma_start3A_36 = tpu.memref_squeeze %dma_start3A_35 : memref<1x16x128xf32, #tpu.memory_space<hbm>> -> memref<16x128xf32, #tpu.memory_space<hbm>>
        %dma_start3A_37 = arith.constant 9984 : i32
        %dma_start3A_38 = arith.constant 0 : i32
        %dma_start3A_39 = tpu.memref_slice %arg10[%dma_start3A_37, %dma_start3A_38] : memref<10000x128xf32, #tpu.memory_space<vmem_shared>> -> memref<16x128xf32, #tpu.memory_space<vmem_shared>>
        tpu.enqueue_dma source(%dma_start3A_39 : memref<16x128xf32, #tpu.memory_space<vmem_shared>>) target(%dma_start3A_36 : memref<16x128xf32, #tpu.memory_space<hbm>>) target_semaphore(%run_scoped3A : memref<!tpu.dma_semaphore, #tpu.memory_space<semaphore_mem>>)
        %dma_wait3A = arith.constant 9984 : i32
        %dma_wait3A_40 = arith.constant 0 : i32
        %dma_wait3A_41 = tpu.memref_slice %arg6[%arg0, %dma_wait3A, %dma_wait3A_40] : memref<2x10000x128xf32, #tpu.memory_space<hbm>> -> memref<1x16x128xf32, #tpu.memory_space<hbm>>
        %dma_wait3A_42 = tpu.memref_squeeze %dma_wait3A_41 : memref<1x16x128xf32, #tpu.memory_space<hbm>> -> memref<16x128xf32, #tpu.memory_space<hbm>>
        %dma_wait3A_43 = arith.constant 9984 : i32
        %dma_wait3A_44 = arith.constant 0 : i32
        %dma_wait3A_45 = tpu.memref_slice %arg10[%dma_wait3A_43, %dma_wait3A_44] : memref<10000x128xf32, #tpu.memory_space<vmem_shared>> -> memref<16x128xf32, #tpu.memory_space<vmem_shared>>
        tpu.wait_dma2 semaphore(%run_scoped3A : memref<!tpu.dma_semaphore, #tpu.memory_space<semaphore_mem>>) src(%dma_wait3A_45 : memref<16x128xf32, #tpu.memory_space<vmem_shared>>) dst(%dma_wait3A_42 : memref<16x128xf32, #tpu.memory_space<hbm>>)
        tpu.yield
      }) : () -> ()
    } else {
    }
    return
  }
}

#map = affine_map<(d0, d1) -> (0, 0, 0)>
#map1 = affine_map<(d0, d1) -> (0, 0)>
module attributes {stable_mosaic.version = 14 : i64} {
  func.func @_deg_body(%arg0: i32, %arg1: i32, %arg2: memref<32x125x80xi32, #tpu.memory_space<hbm>>, %arg3: memref<80x16xf32, #tpu.memory_space<hbm>>, %arg4: memref<80x16xf32, #tpu.memory_space<hbm>>, %arg5: memref<2x10000x16xf32, #tpu.memory_space<hbm>>, %arg6: memref<125x80xi32, #tpu.memory_space<vmem>>, %arg7: memref<80x16xf32, #tpu.memory_space<vmem>>, %arg8: memref<80x16xf32, #tpu.memory_space<vmem>>, %arg9: memref<10000x16xf32, #tpu.memory_space<vmem_shared>>) attributes {dimension_semantics = [#tpu.dimension_semantics<core_parallel>, #tpu.dimension_semantics<subcore_parallel>], iteration_bounds = array<i64: 2, 16>, scalar_prefetch = 0 : i64, scratch_operands = 4 : i64, tpu.core_type = #tpu.core_type<sc_vector_subcore>, window_params = [{transform_indices = #map}, {transform_indices = #map1}, {transform_indices = #map1}, {transform_indices = #map}]} {
    %mul3A = arith.constant 2 : i32
    %mul3A_0 = arith.muli %arg1, %mul3A : i32
    %add3A = arith.addi %mul3A_0, %arg0 : i32
    "tpu.region"() ({
      %run_scoped3A = tpu.sem_alloc : memref<!tpu.dma_semaphore, #tpu.memory_space<semaphore_mem>>
      tpu.enqueue_dma source(%arg3 : memref<80x16xf32, #tpu.memory_space<hbm>>) target(%arg7 : memref<80x16xf32, #tpu.memory_space<vmem>>) target_semaphore(%run_scoped3A : memref<!tpu.dma_semaphore, #tpu.memory_space<semaphore_mem>>)
      tpu.wait_dma2 semaphore(%run_scoped3A : memref<!tpu.dma_semaphore, #tpu.memory_space<semaphore_mem>>) src(%arg3 : memref<80x16xf32, #tpu.memory_space<hbm>>) dst(%arg7 : memref<80x16xf32, #tpu.memory_space<vmem>>)
      tpu.yield
    }) : () -> ()
    "tpu.region"() ({
      %run_scoped3A = tpu.sem_alloc : memref<!tpu.dma_semaphore, #tpu.memory_space<semaphore_mem>>
      tpu.enqueue_dma source(%arg4 : memref<80x16xf32, #tpu.memory_space<hbm>>) target(%arg8 : memref<80x16xf32, #tpu.memory_space<vmem>>) target_semaphore(%run_scoped3A : memref<!tpu.dma_semaphore, #tpu.memory_space<semaphore_mem>>)
      tpu.wait_dma2 semaphore(%run_scoped3A : memref<!tpu.dma_semaphore, #tpu.memory_space<semaphore_mem>>) src(%arg4 : memref<80x16xf32, #tpu.memory_space<hbm>>) dst(%arg8 : memref<80x16xf32, #tpu.memory_space<vmem>>)
      tpu.yield
    }) : () -> ()
    %mul3A_1 = arith.constant 624 : i32
    %mul3A_2 = arith.muli %arg1, %mul3A_1 : i32
    %add3A_3 = arith.constant 0 : i32
    %add3A_4 = arith.addi %mul3A_2, %add3A_3 : i32
    "tpu.region"() ({
      %run_scoped3A = tpu.sem_alloc : memref<!tpu.dma_semaphore, #tpu.memory_space<semaphore_mem>>
      %dma_start3A = arith.constant 0 : i32
      %dma_start3A_34 = tpu.memref_slice %arg9[%add3A_4, %dma_start3A] : memref<10000x16xf32, #tpu.memory_space<vmem_shared>> -> memref<80x16xf32, #tpu.memory_space<vmem_shared>>
      %dma_start3A_35 = arith.constant 0 : i32
      %dma_start3A_36 = tpu.memref_slice %arg9[%add3A_4, %dma_start3A_35] : memref<10000x16xf32, #tpu.memory_space<vmem_shared>> -> memref<80x16xf32, #tpu.memory_space<vmem_shared>>
      tpu.enqueue_dma source(%arg8 : memref<80x16xf32, #tpu.memory_space<vmem>>) target(%dma_start3A_36 : memref<80x16xf32, #tpu.memory_space<vmem_shared>>) target_semaphore(%run_scoped3A : memref<!tpu.dma_semaphore, #tpu.memory_space<semaphore_mem>>)
      %dma_wait3A = arith.constant 0 : i32
      %dma_wait3A_37 = tpu.memref_slice %arg9[%add3A_4, %dma_wait3A] : memref<10000x16xf32, #tpu.memory_space<vmem_shared>> -> memref<80x16xf32, #tpu.memory_space<vmem_shared>>
      %dma_wait3A_38 = arith.constant 0 : i32
      %dma_wait3A_39 = tpu.memref_slice %arg9[%add3A_4, %dma_wait3A_38] : memref<10000x16xf32, #tpu.memory_space<vmem_shared>> -> memref<80x16xf32, #tpu.memory_space<vmem_shared>>
      tpu.wait_dma2 semaphore(%run_scoped3A : memref<!tpu.dma_semaphore, #tpu.memory_space<semaphore_mem>>) src(%arg8 : memref<80x16xf32, #tpu.memory_space<vmem>>) dst(%dma_wait3A_39 : memref<80x16xf32, #tpu.memory_space<vmem_shared>>)
      tpu.yield
    }) : () -> ()
    %add3A_5 = arith.constant 80 : i32
    %add3A_6 = arith.addi %mul3A_2, %add3A_5 : i32
    "tpu.region"() ({
      %run_scoped3A = tpu.sem_alloc : memref<!tpu.dma_semaphore, #tpu.memory_space<semaphore_mem>>
      %dma_start3A = arith.constant 0 : i32
      %dma_start3A_34 = tpu.memref_slice %arg9[%add3A_6, %dma_start3A] : memref<10000x16xf32, #tpu.memory_space<vmem_shared>> -> memref<80x16xf32, #tpu.memory_space<vmem_shared>>
      %dma_start3A_35 = arith.constant 0 : i32
      %dma_start3A_36 = tpu.memref_slice %arg9[%add3A_6, %dma_start3A_35] : memref<10000x16xf32, #tpu.memory_space<vmem_shared>> -> memref<80x16xf32, #tpu.memory_space<vmem_shared>>
      tpu.enqueue_dma source(%arg8 : memref<80x16xf32, #tpu.memory_space<vmem>>) target(%dma_start3A_36 : memref<80x16xf32, #tpu.memory_space<vmem_shared>>) target_semaphore(%run_scoped3A : memref<!tpu.dma_semaphore, #tpu.memory_space<semaphore_mem>>)
      %dma_wait3A = arith.constant 0 : i32
      %dma_wait3A_37 = tpu.memref_slice %arg9[%add3A_6, %dma_wait3A] : memref<10000x16xf32, #tpu.memory_space<vmem_shared>> -> memref<80x16xf32, #tpu.memory_space<vmem_shared>>
      %dma_wait3A_38 = arith.constant 0 : i32
      %dma_wait3A_39 = tpu.memref_slice %arg9[%add3A_6, %dma_wait3A_38] : memref<10000x16xf32, #tpu.memory_space<vmem_shared>> -> memref<80x16xf32, #tpu.memory_space<vmem_shared>>
      tpu.wait_dma2 semaphore(%run_scoped3A : memref<!tpu.dma_semaphore, #tpu.memory_space<semaphore_mem>>) src(%arg8 : memref<80x16xf32, #tpu.memory_space<vmem>>) dst(%dma_wait3A_39 : memref<80x16xf32, #tpu.memory_space<vmem_shared>>)
      tpu.yield
    }) : () -> ()
    %add3A_7 = arith.constant 160 : i32
    %add3A_8 = arith.addi %mul3A_2, %add3A_7 : i32
    "tpu.region"() ({
      %run_scoped3A = tpu.sem_alloc : memref<!tpu.dma_semaphore, #tpu.memory_space<semaphore_mem>>
      %dma_start3A = arith.constant 0 : i32
      %dma_start3A_34 = tpu.memref_slice %arg9[%add3A_8, %dma_start3A] : memref<10000x16xf32, #tpu.memory_space<vmem_shared>> -> memref<80x16xf32, #tpu.memory_space<vmem_shared>>
      %dma_start3A_35 = arith.constant 0 : i32
      %dma_start3A_36 = tpu.memref_slice %arg9[%add3A_8, %dma_start3A_35] : memref<10000x16xf32, #tpu.memory_space<vmem_shared>> -> memref<80x16xf32, #tpu.memory_space<vmem_shared>>
      tpu.enqueue_dma source(%arg8 : memref<80x16xf32, #tpu.memory_space<vmem>>) target(%dma_start3A_36 : memref<80x16xf32, #tpu.memory_space<vmem_shared>>) target_semaphore(%run_scoped3A : memref<!tpu.dma_semaphore, #tpu.memory_space<semaphore_mem>>)
      %dma_wait3A = arith.constant 0 : i32
      %dma_wait3A_37 = tpu.memref_slice %arg9[%add3A_8, %dma_wait3A] : memref<10000x16xf32, #tpu.memory_space<vmem_shared>> -> memref<80x16xf32, #tpu.memory_space<vmem_shared>>
      %dma_wait3A_38 = arith.constant 0 : i32
      %dma_wait3A_39 = tpu.memref_slice %arg9[%add3A_8, %dma_wait3A_38] : memref<10000x16xf32, #tpu.memory_space<vmem_shared>> -> memref<80x16xf32, #tpu.memory_space<vmem_shared>>
      tpu.wait_dma2 semaphore(%run_scoped3A : memref<!tpu.dma_semaphore, #tpu.memory_space<semaphore_mem>>) src(%arg8 : memref<80x16xf32, #tpu.memory_space<vmem>>) dst(%dma_wait3A_39 : memref<80x16xf32, #tpu.memory_space<vmem_shared>>)
      tpu.yield
    }) : () -> ()
    %add3A_9 = arith.constant 240 : i32
    %add3A_10 = arith.addi %mul3A_2, %add3A_9 : i32
    "tpu.region"() ({
      %run_scoped3A = tpu.sem_alloc : memref<!tpu.dma_semaphore, #tpu.memory_space<semaphore_mem>>
      %dma_start3A = arith.constant 0 : i32
      %dma_start3A_34 = tpu.memref_slice %arg9[%add3A_10, %dma_start3A] : memref<10000x16xf32, #tpu.memory_space<vmem_shared>> -> memref<80x16xf32, #tpu.memory_space<vmem_shared>>
      %dma_start3A_35 = arith.constant 0 : i32
      %dma_start3A_36 = tpu.memref_slice %arg9[%add3A_10, %dma_start3A_35] : memref<10000x16xf32, #tpu.memory_space<vmem_shared>> -> memref<80x16xf32, #tpu.memory_space<vmem_shared>>
      tpu.enqueue_dma source(%arg8 : memref<80x16xf32, #tpu.memory_space<vmem>>) target(%dma_start3A_36 : memref<80x16xf32, #tpu.memory_space<vmem_shared>>) target_semaphore(%run_scoped3A : memref<!tpu.dma_semaphore, #tpu.memory_space<semaphore_mem>>)
      %dma_wait3A = arith.constant 0 : i32
      %dma_wait3A_37 = tpu.memref_slice %arg9[%add3A_10, %dma_wait3A] : memref<10000x16xf32, #tpu.memory_space<vmem_shared>> -> memref<80x16xf32, #tpu.memory_space<vmem_shared>>
      %dma_wait3A_38 = arith.constant 0 : i32
      %dma_wait3A_39 = tpu.memref_slice %arg9[%add3A_10, %dma_wait3A_38] : memref<10000x16xf32, #tpu.memory_space<vmem_shared>> -> memref<80x16xf32, #tpu.memory_space<vmem_shared>>
      tpu.wait_dma2 semaphore(%run_scoped3A : memref<!tpu.dma_semaphore, #tpu.memory_space<semaphore_mem>>) src(%arg8 : memref<80x16xf32, #tpu.memory_space<vmem>>) dst(%dma_wait3A_39 : memref<80x16xf32, #tpu.memory_space<vmem_shared>>)
      tpu.yield
    }) : () -> ()
    %add3A_11 = arith.constant 320 : i32
    %add3A_12 = arith.addi %mul3A_2, %add3A_11 : i32
    "tpu.region"() ({
      %run_scoped3A = tpu.sem_alloc : memref<!tpu.dma_semaphore, #tpu.memory_space<semaphore_mem>>
      %dma_start3A = arith.constant 0 : i32
      %dma_start3A_34 = tpu.memref_slice %arg9[%add3A_12, %dma_start3A] : memref<10000x16xf32, #tpu.memory_space<vmem_shared>> -> memref<80x16xf32, #tpu.memory_space<vmem_shared>>
      %dma_start3A_35 = arith.constant 0 : i32
      %dma_start3A_36 = tpu.memref_slice %arg9[%add3A_12, %dma_start3A_35] : memref<10000x16xf32, #tpu.memory_space<vmem_shared>> -> memref<80x16xf32, #tpu.memory_space<vmem_shared>>
      tpu.enqueue_dma source(%arg8 : memref<80x16xf32, #tpu.memory_space<vmem>>) target(%dma_start3A_36 : memref<80x16xf32, #tpu.memory_space<vmem_shared>>) target_semaphore(%run_scoped3A : memref<!tpu.dma_semaphore, #tpu.memory_space<semaphore_mem>>)
      %dma_wait3A = arith.constant 0 : i32
      %dma_wait3A_37 = tpu.memref_slice %arg9[%add3A_12, %dma_wait3A] : memref<10000x16xf32, #tpu.memory_space<vmem_shared>> -> memref<80x16xf32, #tpu.memory_space<vmem_shared>>
      %dma_wait3A_38 = arith.constant 0 : i32
      %dma_wait3A_39 = tpu.memref_slice %arg9[%add3A_12, %dma_wait3A_38] : memref<10000x16xf32, #tpu.memory_space<vmem_shared>> -> memref<80x16xf32, #tpu.memory_space<vmem_shared>>
      tpu.wait_dma2 semaphore(%run_scoped3A : memref<!tpu.dma_semaphore, #tpu.memory_space<semaphore_mem>>) src(%arg8 : memref<80x16xf32, #tpu.memory_space<vmem>>) dst(%dma_wait3A_39 : memref<80x16xf32, #tpu.memory_space<vmem_shared>>)
      tpu.yield
    }) : () -> ()
    %add3A_13 = arith.constant 400 : i32
    %add3A_14 = arith.addi %mul3A_2, %add3A_13 : i32
    "tpu.region"() ({
      %run_scoped3A = tpu.sem_alloc : memref<!tpu.dma_semaphore, #tpu.memory_space<semaphore_mem>>
      %dma_start3A = arith.constant 0 : i32
      %dma_start3A_34 = tpu.memref_slice %arg9[%add3A_14, %dma_start3A] : memref<10000x16xf32, #tpu.memory_space<vmem_shared>> -> memref<80x16xf32, #tpu.memory_space<vmem_shared>>
      %dma_start3A_35 = arith.constant 0 : i32
      %dma_start3A_36 = tpu.memref_slice %arg9[%add3A_14, %dma_start3A_35] : memref<10000x16xf32, #tpu.memory_space<vmem_shared>> -> memref<80x16xf32, #tpu.memory_space<vmem_shared>>
      tpu.enqueue_dma source(%arg8 : memref<80x16xf32, #tpu.memory_space<vmem>>) target(%dma_start3A_36 : memref<80x16xf32, #tpu.memory_space<vmem_shared>>) target_semaphore(%run_scoped3A : memref<!tpu.dma_semaphore, #tpu.memory_space<semaphore_mem>>)
      %dma_wait3A = arith.constant 0 : i32
      %dma_wait3A_37 = tpu.memref_slice %arg9[%add3A_14, %dma_wait3A] : memref<10000x16xf32, #tpu.memory_space<vmem_shared>> -> memref<80x16xf32, #tpu.memory_space<vmem_shared>>
      %dma_wait3A_38 = arith.constant 0 : i32
      %dma_wait3A_39 = tpu.memref_slice %arg9[%add3A_14, %dma_wait3A_38] : memref<10000x16xf32, #tpu.memory_space<vmem_shared>> -> memref<80x16xf32, #tpu.memory_space<vmem_shared>>
      tpu.wait_dma2 semaphore(%run_scoped3A : memref<!tpu.dma_semaphore, #tpu.memory_space<semaphore_mem>>) src(%arg8 : memref<80x16xf32, #tpu.memory_space<vmem>>) dst(%dma_wait3A_39 : memref<80x16xf32, #tpu.memory_space<vmem_shared>>)
      tpu.yield
    }) : () -> ()
    %add3A_15 = arith.constant 480 : i32
    %add3A_16 = arith.addi %mul3A_2, %add3A_15 : i32
    "tpu.region"() ({
      %run_scoped3A = tpu.sem_alloc : memref<!tpu.dma_semaphore, #tpu.memory_space<semaphore_mem>>
      %dma_start3A = arith.constant 0 : i32
      %dma_start3A_34 = tpu.memref_slice %arg9[%add3A_16, %dma_start3A] : memref<10000x16xf32, #tpu.memory_space<vmem_shared>> -> memref<80x16xf32, #tpu.memory_space<vmem_shared>>
      %dma_start3A_35 = arith.constant 0 : i32
      %dma_start3A_36 = tpu.memref_slice %arg9[%add3A_16, %dma_start3A_35] : memref<10000x16xf32, #tpu.memory_space<vmem_shared>> -> memref<80x16xf32, #tpu.memory_space<vmem_shared>>
      tpu.enqueue_dma source(%arg8 : memref<80x16xf32, #tpu.memory_space<vmem>>) target(%dma_start3A_36 : memref<80x16xf32, #tpu.memory_space<vmem_shared>>) target_semaphore(%run_scoped3A : memref<!tpu.dma_semaphore, #tpu.memory_space<semaphore_mem>>)
      %dma_wait3A = arith.constant 0 : i32
      %dma_wait3A_37 = tpu.memref_slice %arg9[%add3A_16, %dma_wait3A] : memref<10000x16xf32, #tpu.memory_space<vmem_shared>> -> memref<80x16xf32, #tpu.memory_space<vmem_shared>>
      %dma_wait3A_38 = arith.constant 0 : i32
      %dma_wait3A_39 = tpu.memref_slice %arg9[%add3A_16, %dma_wait3A_38] : memref<10000x16xf32, #tpu.memory_space<vmem_shared>> -> memref<80x16xf32, #tpu.memory_space<vmem_shared>>
      tpu.wait_dma2 semaphore(%run_scoped3A : memref<!tpu.dma_semaphore, #tpu.memory_space<semaphore_mem>>) src(%arg8 : memref<80x16xf32, #tpu.memory_space<vmem>>) dst(%dma_wait3A_39 : memref<80x16xf32, #tpu.memory_space<vmem_shared>>)
      tpu.yield
    }) : () -> ()
    %add3A_17 = arith.constant 560 : i32
    %add3A_18 = arith.addi %mul3A_2, %add3A_17 : i32
    "tpu.region"() ({
      %run_scoped3A = tpu.sem_alloc : memref<!tpu.dma_semaphore, #tpu.memory_space<semaphore_mem>>
      %dma_start3A = arith.constant 0 : i32
      %dma_start3A_34 = arith.constant 0 : i32
      %dma_start3A_35 = tpu.memref_slice %arg8[%dma_start3A, %dma_start3A_34] : memref<80x16xf32, #tpu.memory_space<vmem>> -> memref<64x16xf32, #tpu.memory_space<vmem>>
      %dma_start3A_36 = arith.constant 0 : i32
      %dma_start3A_37 = tpu.memref_slice %arg9[%add3A_18, %dma_start3A_36] : memref<10000x16xf32, #tpu.memory_space<vmem_shared>> -> memref<64x16xf32, #tpu.memory_space<vmem_shared>>
      %dma_start3A_38 = arith.constant 0 : i32
      %dma_start3A_39 = tpu.memref_slice %arg9[%add3A_18, %dma_start3A_38] : memref<10000x16xf32, #tpu.memory_space<vmem_shared>> -> memref<64x16xf32, #tpu.memory_space<vmem_shared>>
      %dma_start3A_40 = arith.constant 0 : i32
      %dma_start3A_41 = arith.constant 0 : i32
      %dma_start3A_42 = tpu.memref_slice %arg8[%dma_start3A_40, %dma_start3A_41] : memref<80x16xf32, #tpu.memory_space<vmem>> -> memref<64x16xf32, #tpu.memory_space<vmem>>
      tpu.enqueue_dma source(%dma_start3A_42 : memref<64x16xf32, #tpu.memory_space<vmem>>) target(%dma_start3A_39 : memref<64x16xf32, #tpu.memory_space<vmem_shared>>) target_semaphore(%run_scoped3A : memref<!tpu.dma_semaphore, #tpu.memory_space<semaphore_mem>>)
      %dma_wait3A = arith.constant 0 : i32
      %dma_wait3A_43 = arith.constant 0 : i32
      %dma_wait3A_44 = tpu.memref_slice %arg8[%dma_wait3A, %dma_wait3A_43] : memref<80x16xf32, #tpu.memory_space<vmem>> -> memref<64x16xf32, #tpu.memory_space<vmem>>
      %dma_wait3A_45 = arith.constant 0 : i32
      %dma_wait3A_46 = tpu.memref_slice %arg9[%add3A_18, %dma_wait3A_45] : memref<10000x16xf32, #tpu.memory_space<vmem_shared>> -> memref<64x16xf32, #tpu.memory_space<vmem_shared>>
      %dma_wait3A_47 = arith.constant 0 : i32
      %dma_wait3A_48 = tpu.memref_slice %arg9[%add3A_18, %dma_wait3A_47] : memref<10000x16xf32, #tpu.memory_space<vmem_shared>> -> memref<64x16xf32, #tpu.memory_space<vmem_shared>>
      %dma_wait3A_49 = arith.constant 0 : i32
      %dma_wait3A_50 = arith.constant 0 : i32
      %dma_wait3A_51 = tpu.memref_slice %arg8[%dma_wait3A_49, %dma_wait3A_50] : memref<80x16xf32, #tpu.memory_space<vmem>> -> memref<64x16xf32, #tpu.memory_space<vmem>>
      tpu.wait_dma2 semaphore(%run_scoped3A : memref<!tpu.dma_semaphore, #tpu.memory_space<semaphore_mem>>) src(%dma_wait3A_51 : memref<64x16xf32, #tpu.memory_space<vmem>>) dst(%dma_wait3A_48 : memref<64x16xf32, #tpu.memory_space<vmem_shared>>)
      tpu.yield
    }) : () -> ()
    %eq3A = arith.constant 15 : i32
    %eq3A_19 = arith.cmpi eq, %arg1, %eq3A : i32
    %convert_element_type3A = arith.extui %eq3A_19 : i1 to i32
    %cond3A = arith.constant 0 : i32
    %cond3A_20 = arith.cmpi ne, %convert_element_type3A, %cond3A : i32
    scf.if %cond3A_20 {
      "tpu.region"() ({
        %run_scoped3A = tpu.sem_alloc : memref<!tpu.dma_semaphore, #tpu.memory_space<semaphore_mem>>
        %dma_start3A = arith.constant 0 : i32
        %dma_start3A_34 = arith.constant 0 : i32
        %dma_start3A_35 = tpu.memref_slice %arg8[%dma_start3A, %dma_start3A_34] : memref<80x16xf32, #tpu.memory_space<vmem>> -> memref<16x16xf32, #tpu.memory_space<vmem>>
        %dma_start3A_36 = arith.constant 9984 : i32
        %dma_start3A_37 = arith.constant 0 : i32
        %dma_start3A_38 = tpu.memref_slice %arg9[%dma_start3A_36, %dma_start3A_37] : memref<10000x16xf32, #tpu.memory_space<vmem_shared>> -> memref<16x16xf32, #tpu.memory_space<vmem_shared>>
        %dma_start3A_39 = arith.constant 9984 : i32
        %dma_start3A_40 = arith.constant 0 : i32
        %dma_start3A_41 = tpu.memref_slice %arg9[%dma_start3A_39, %dma_start3A_40] : memref<10000x16xf32, #tpu.memory_space<vmem_shared>> -> memref<16x16xf32, #tpu.memory_space<vmem_shared>>
        %dma_start3A_42 = arith.constant 0 : i32
        %dma_start3A_43 = arith.constant 0 : i32
        %dma_start3A_44 = tpu.memref_slice %arg8[%dma_start3A_42, %dma_start3A_43] : memref<80x16xf32, #tpu.memory_space<vmem>> -> memref<16x16xf32, #tpu.memory_space<vmem>>
        tpu.enqueue_dma source(%dma_start3A_44 : memref<16x16xf32, #tpu.memory_space<vmem>>) target(%dma_start3A_41 : memref<16x16xf32, #tpu.memory_space<vmem_shared>>) target_semaphore(%run_scoped3A : memref<!tpu.dma_semaphore, #tpu.memory_space<semaphore_mem>>)
        %dma_wait3A = arith.constant 0 : i32
        %dma_wait3A_45 = arith.constant 0 : i32
        %dma_wait3A_46 = tpu.memref_slice %arg8[%dma_wait3A, %dma_wait3A_45] : memref<80x16xf32, #tpu.memory_space<vmem>> -> memref<16x16xf32, #tpu.memory_space<vmem>>
        %dma_wait3A_47 = arith.constant 9984 : i32
        %dma_wait3A_48 = arith.constant 0 : i32
        %dma_wait3A_49 = tpu.memref_slice %arg9[%dma_wait3A_47, %dma_wait3A_48] : memref<10000x16xf32, #tpu.memory_space<vmem_shared>> -> memref<16x16xf32, #tpu.memory_space<vmem_shared>>
        %dma_wait3A_50 = arith.constant 9984 : i32
        %dma_wait3A_51 = arith.constant 0 : i32
        %dma_wait3A_52 = tpu.memref_slice %arg9[%dma_wait3A_50, %dma_wait3A_51] : memref<10000x16xf32, #tpu.memory_space<vmem_shared>> -> memref<16x16xf32, #tpu.memory_space<vmem_shared>>
        %dma_wait3A_53 = arith.constant 0 : i32
        %dma_wait3A_54 = arith.constant 0 : i32
        %dma_wait3A_55 = tpu.memref_slice %arg8[%dma_wait3A_53, %dma_wait3A_54] : memref<80x16xf32, #tpu.memory_space<vmem>> -> memref<16x16xf32, #tpu.memory_space<vmem>>
        tpu.wait_dma2 semaphore(%run_scoped3A : memref<!tpu.dma_semaphore, #tpu.memory_space<semaphore_mem>>) src(%dma_wait3A_55 : memref<16x16xf32, #tpu.memory_space<vmem>>) dst(%dma_wait3A_52 : memref<16x16xf32, #tpu.memory_space<vmem_shared>>)
        tpu.yield
      }) : () -> ()
    } else {
    }
    "tpu.region"() ({
      %run_scoped3A = tpu.sem_alloc : memref<!tpu.dma_semaphore, #tpu.memory_space<semaphore_mem>>
      %dma_start3A = arith.constant 0 : i32
      %dma_start3A_34 = arith.constant 0 : i32
      %dma_start3A_35 = tpu.memref_slice %arg8[%dma_start3A, %dma_start3A_34] : memref<80x16xf32, #tpu.memory_space<vmem>> -> memref<8x16xf32, #tpu.memory_space<vmem>>
      %dma_start3A_36 = arith.constant 0 : i32
      %dma_start3A_37 = tpu.memref_slice %arg9[%mul3A_2, %dma_start3A_36] : memref<10000x16xf32, #tpu.memory_space<vmem_shared>> -> memref<8x16xf32, #tpu.memory_space<vmem_shared>>
      %dma_start3A_38 = arith.constant 0 : i32
      %dma_start3A_39 = arith.constant 0 : i32
      %dma_start3A_40 = tpu.memref_slice %arg8[%dma_start3A_38, %dma_start3A_39] : memref<80x16xf32, #tpu.memory_space<vmem>> -> memref<8x16xf32, #tpu.memory_space<vmem>>
      %dma_start3A_41 = arith.constant 0 : i32
      %dma_start3A_42 = tpu.memref_slice %arg9[%mul3A_2, %dma_start3A_41] : memref<10000x16xf32, #tpu.memory_space<vmem_shared>> -> memref<8x16xf32, #tpu.memory_space<vmem_shared>>
      tpu.enqueue_dma source(%dma_start3A_42 : memref<8x16xf32, #tpu.memory_space<vmem_shared>>) target(%dma_start3A_40 : memref<8x16xf32, #tpu.memory_space<vmem>>) target_semaphore(%run_scoped3A : memref<!tpu.dma_semaphore, #tpu.memory_space<semaphore_mem>>)
      %dma_wait3A = arith.constant 0 : i32
      %dma_wait3A_43 = arith.constant 0 : i32
      %dma_wait3A_44 = tpu.memref_slice %arg8[%dma_wait3A, %dma_wait3A_43] : memref<80x16xf32, #tpu.memory_space<vmem>> -> memref<8x16xf32, #tpu.memory_space<vmem>>
      %dma_wait3A_45 = arith.constant 0 : i32
      %dma_wait3A_46 = tpu.memref_slice %arg9[%mul3A_2, %dma_wait3A_45] : memref<10000x16xf32, #tpu.memory_space<vmem_shared>> -> memref<8x16xf32, #tpu.memory_space<vmem_shared>>
      %dma_wait3A_47 = arith.constant 0 : i32
      %dma_wait3A_48 = arith.constant 0 : i32
      %dma_wait3A_49 = tpu.memref_slice %arg8[%dma_wait3A_47, %dma_wait3A_48] : memref<80x16xf32, #tpu.memory_space<vmem>> -> memref<8x16xf32, #tpu.memory_space<vmem>>
      %dma_wait3A_50 = arith.constant 0 : i32
      %dma_wait3A_51 = tpu.memref_slice %arg9[%mul3A_2, %dma_wait3A_50] : memref<10000x16xf32, #tpu.memory_space<vmem_shared>> -> memref<8x16xf32, #tpu.memory_space<vmem_shared>>
      tpu.wait_dma2 semaphore(%run_scoped3A : memref<!tpu.dma_semaphore, #tpu.memory_space<semaphore_mem>>) src(%dma_wait3A_51 : memref<8x16xf32, #tpu.memory_space<vmem_shared>>) dst(%dma_wait3A_49 : memref<8x16xf32, #tpu.memory_space<vmem>>)
      tpu.yield
    }) : () -> ()
    %barrier3A = arith.constant 0 : index
    tpu.barrier barrier_id(%barrier3A)
    "tpu.region"() ({
      %run_scoped3A = tpu.sem_alloc : memref<!tpu.dma_semaphore, #tpu.memory_space<semaphore_mem>>
      %dma_start3A = arith.constant 0 : i32
      %dma_start3A_34 = arith.constant 0 : i32
      %dma_start3A_35 = tpu.memref_slice %arg2[%add3A, %dma_start3A, %dma_start3A_34] : memref<32x125x80xi32, #tpu.memory_space<hbm>> -> memref<1x125x80xi32, #tpu.memory_space<hbm>>
      %dma_start3A_36 = tpu.memref_squeeze %dma_start3A_35 : memref<1x125x80xi32, #tpu.memory_space<hbm>> -> memref<125x80xi32, #tpu.memory_space<hbm>>
      %dma_start3A_37 = arith.constant 0 : i32
      %dma_start3A_38 = arith.constant 0 : i32
      %dma_start3A_39 = tpu.memref_slice %arg2[%add3A, %dma_start3A_37, %dma_start3A_38] : memref<32x125x80xi32, #tpu.memory_space<hbm>> -> memref<1x125x80xi32, #tpu.memory_space<hbm>>
      %dma_start3A_40 = tpu.memref_squeeze %dma_start3A_39 : memref<1x125x80xi32, #tpu.memory_space<hbm>> -> memref<125x80xi32, #tpu.memory_space<hbm>>
      tpu.enqueue_dma source(%dma_start3A_40 : memref<125x80xi32, #tpu.memory_space<hbm>>) target(%arg6 : memref<125x80xi32, #tpu.memory_space<vmem>>) target_semaphore(%run_scoped3A : memref<!tpu.dma_semaphore, #tpu.memory_space<semaphore_mem>>)
      %dma_wait3A = arith.constant 0 : i32
      %dma_wait3A_41 = arith.constant 0 : i32
      %dma_wait3A_42 = tpu.memref_slice %arg2[%add3A, %dma_wait3A, %dma_wait3A_41] : memref<32x125x80xi32, #tpu.memory_space<hbm>> -> memref<1x125x80xi32, #tpu.memory_space<hbm>>
      %dma_wait3A_43 = tpu.memref_squeeze %dma_wait3A_42 : memref<1x125x80xi32, #tpu.memory_space<hbm>> -> memref<125x80xi32, #tpu.memory_space<hbm>>
      %dma_wait3A_44 = arith.constant 0 : i32
      %dma_wait3A_45 = arith.constant 0 : i32
      %dma_wait3A_46 = tpu.memref_slice %arg2[%add3A, %dma_wait3A_44, %dma_wait3A_45] : memref<32x125x80xi32, #tpu.memory_space<hbm>> -> memref<1x125x80xi32, #tpu.memory_space<hbm>>
      %dma_wait3A_47 = tpu.memref_squeeze %dma_wait3A_46 : memref<1x125x80xi32, #tpu.memory_space<hbm>> -> memref<125x80xi32, #tpu.memory_space<hbm>>
      tpu.wait_dma2 semaphore(%run_scoped3A : memref<!tpu.dma_semaphore, #tpu.memory_space<semaphore_mem>>) src(%dma_wait3A_47 : memref<125x80xi32, #tpu.memory_space<hbm>>) dst(%arg6 : memref<125x80xi32, #tpu.memory_space<vmem>>)
      tpu.yield
    }) : () -> ()
    %barrier3A_21 = arith.constant 0 : index
    tpu.barrier barrier_id(%barrier3A_21)
    %scan3A = arith.constant 0 : i32
    %scan3A_22 = arith.constant 0 : i32
    %scan3A_23 = arith.constant 125 : i32
    %scan3A_24 = arith.addi %scan3A_22, %scan3A_23 : i32
    %scan3A_25 = arith.constant 1 : i32
    %scan3A_26 = scf.for %scan3A_34 = %scan3A_22 to %scan3A_24 step %scan3A_25 iter_args(%scan3A_35 = %scan3A) -> (i32)  : i32 {
      "tpu.region"() ({
        %run_scoped3A = tpu.sem_alloc : memref<!tpu.dma_semaphore, #tpu.memory_space<semaphore_mem>>
        %dma_start3A = arith.constant 0 : i32
        %dma_start3A_37 = tpu.memref_slice %arg6[%scan3A_34, %dma_start3A] : memref<125x80xi32, #tpu.memory_space<vmem>> -> memref<1x80xi32, #tpu.memory_space<vmem>>
        %dma_start3A_38 = tpu.memref_squeeze %dma_start3A_37 : memref<1x80xi32, #tpu.memory_space<vmem>> -> memref<80xi32, #tpu.memory_space<vmem>>
        %dma_start3A_39 = arith.constant 0 : i32
        %dma_start3A_40 = arith.constant 0 : i32
        %dma_start3A_41 = tpu.memref_slice %arg9[%dma_start3A_39, %dma_start3A_40] : memref<10000x16xf32, #tpu.memory_space<vmem_shared>> -> memref<10000x16xf32, #tpu.memory_space<vmem_shared>>
        tpu.enqueue_indirect_dma source(%arg7 : memref<80x16xf32, #tpu.memory_space<vmem>>) target(%dma_start3A_41 : memref<10000x16xf32, #tpu.memory_space<vmem_shared>>) offsets(%dma_start3A_38 : memref<80xi32, #tpu.memory_space<vmem>>) semaphore(%run_scoped3A : memref<!tpu.dma_semaphore, #tpu.memory_space<semaphore_mem>>) {add = true}
        %dma_wait3A = arith.constant 0 : i32
        %dma_wait3A_42 = tpu.memref_slice %arg6[%scan3A_34, %dma_wait3A] : memref<125x80xi32, #tpu.memory_space<vmem>> -> memref<1x80xi32, #tpu.memory_space<vmem>>
        %dma_wait3A_43 = tpu.memref_squeeze %dma_wait3A_42 : memref<1x80xi32, #tpu.memory_space<vmem>> -> memref<80xi32, #tpu.memory_space<vmem>>
        %dma_wait3A_44 = arith.constant 0 : i32
        %dma_wait3A_45 = arith.constant 0 : i32
        %dma_wait3A_46 = tpu.memref_slice %arg9[%dma_wait3A_44, %dma_wait3A_45] : memref<10000x16xf32, #tpu.memory_space<vmem_shared>> -> memref<10000x16xf32, #tpu.memory_space<vmem_shared>>
        tpu.wait_indirect_dma semaphore(%run_scoped3A : memref<!tpu.dma_semaphore, #tpu.memory_space<semaphore_mem>>) src(%arg7 : memref<80x16xf32, #tpu.memory_space<vmem>>) dst(%dma_wait3A_46 : memref<10000x16xf32, #tpu.memory_space<vmem_shared>>)
        tpu.yield
      }) : () -> ()
      %scan3A_36 = arith.constant 0 : i32
      scf.yield %scan3A_36 : i32
    }
    %scan3A_27 = arith.constant 125 : i32
    "tpu.region"() ({
      %run_scoped3A = tpu.sem_alloc : memref<!tpu.dma_semaphore, #tpu.memory_space<semaphore_mem>>
      %dma_start3A = arith.constant 0 : i32
      %dma_start3A_34 = arith.constant 0 : i32
      %dma_start3A_35 = tpu.memref_slice %arg8[%dma_start3A, %dma_start3A_34] : memref<80x16xf32, #tpu.memory_space<vmem>> -> memref<8x16xf32, #tpu.memory_space<vmem>>
      %dma_start3A_36 = arith.constant 0 : i32
      %dma_start3A_37 = tpu.memref_slice %arg9[%mul3A_2, %dma_start3A_36] : memref<10000x16xf32, #tpu.memory_space<vmem_shared>> -> memref<8x16xf32, #tpu.memory_space<vmem_shared>>
      %dma_start3A_38 = arith.constant 0 : i32
      %dma_start3A_39 = arith.constant 0 : i32
      %dma_start3A_40 = tpu.memref_slice %arg8[%dma_start3A_38, %dma_start3A_39] : memref<80x16xf32, #tpu.memory_space<vmem>> -> memref<8x16xf32, #tpu.memory_space<vmem>>
      %dma_start3A_41 = arith.constant 0 : i32
      %dma_start3A_42 = tpu.memref_slice %arg9[%mul3A_2, %dma_start3A_41] : memref<10000x16xf32, #tpu.memory_space<vmem_shared>> -> memref<8x16xf32, #tpu.memory_space<vmem_shared>>
      tpu.enqueue_dma source(%dma_start3A_42 : memref<8x16xf32, #tpu.memory_space<vmem_shared>>) target(%dma_start3A_40 : memref<8x16xf32, #tpu.memory_space<vmem>>) target_semaphore(%run_scoped3A : memref<!tpu.dma_semaphore, #tpu.memory_space<semaphore_mem>>)
      %dma_wait3A = arith.constant 0 : i32
      %dma_wait3A_43 = arith.constant 0 : i32
      %dma_wait3A_44 = tpu.memref_slice %arg8[%dma_wait3A, %dma_wait3A_43] : memref<80x16xf32, #tpu.memory_space<vmem>> -> memref<8x16xf32, #tpu.memory_space<vmem>>
      %dma_wait3A_45 = arith.constant 0 : i32
      %dma_wait3A_46 = tpu.memref_slice %arg9[%mul3A_2, %dma_wait3A_45] : memref<10000x16xf32, #tpu.memory_space<vmem_shared>> -> memref<8x16xf32, #tpu.memory_space<vmem_shared>>
      %dma_wait3A_47 = arith.constant 0 : i32
      %dma_wait3A_48 = arith.constant 0 : i32
      %dma_wait3A_49 = tpu.memref_slice %arg8[%dma_wait3A_47, %dma_wait3A_48] : memref<80x16xf32, #tpu.memory_space<vmem>> -> memref<8x16xf32, #tpu.memory_space<vmem>>
      %dma_wait3A_50 = arith.constant 0 : i32
      %dma_wait3A_51 = tpu.memref_slice %arg9[%mul3A_2, %dma_wait3A_50] : memref<10000x16xf32, #tpu.memory_space<vmem_shared>> -> memref<8x16xf32, #tpu.memory_space<vmem_shared>>
      tpu.wait_dma2 semaphore(%run_scoped3A : memref<!tpu.dma_semaphore, #tpu.memory_space<semaphore_mem>>) src(%dma_wait3A_51 : memref<8x16xf32, #tpu.memory_space<vmem_shared>>) dst(%dma_wait3A_49 : memref<8x16xf32, #tpu.memory_space<vmem>>)
      tpu.yield
    }) : () -> ()
    %barrier3A_28 = arith.constant 0 : index
    tpu.barrier barrier_id(%barrier3A_28)
    "tpu.region"() ({
      %run_scoped3A = tpu.sem_alloc : memref<!tpu.dma_semaphore, #tpu.memory_space<semaphore_mem>>
      %dma_start3A = arith.constant 0 : i32
      %dma_start3A_34 = tpu.memref_slice %arg5[%arg0, %mul3A_2, %dma_start3A] : memref<2x10000x16xf32, #tpu.memory_space<hbm>> -> memref<1x624x16xf32, #tpu.memory_space<hbm>>
      %dma_start3A_35 = tpu.memref_squeeze %dma_start3A_34 : memref<1x624x16xf32, #tpu.memory_space<hbm>> -> memref<624x16xf32, #tpu.memory_space<hbm>>
      %dma_start3A_36 = arith.constant 0 : i32
      %dma_start3A_37 = tpu.memref_slice %arg9[%mul3A_2, %dma_start3A_36] : memref<10000x16xf32, #tpu.memory_space<vmem_shared>> -> memref<624x16xf32, #tpu.memory_space<vmem_shared>>
      tpu.enqueue_dma source(%dma_start3A_37 : memref<624x16xf32, #tpu.memory_space<vmem_shared>>) target(%dma_start3A_35 : memref<624x16xf32, #tpu.memory_space<hbm>>) target_semaphore(%run_scoped3A : memref<!tpu.dma_semaphore, #tpu.memory_space<semaphore_mem>>)
      %dma_wait3A = arith.constant 0 : i32
      %dma_wait3A_38 = tpu.memref_slice %arg5[%arg0, %mul3A_2, %dma_wait3A] : memref<2x10000x16xf32, #tpu.memory_space<hbm>> -> memref<1x624x16xf32, #tpu.memory_space<hbm>>
      %dma_wait3A_39 = tpu.memref_squeeze %dma_wait3A_38 : memref<1x624x16xf32, #tpu.memory_space<hbm>> -> memref<624x16xf32, #tpu.memory_space<hbm>>
      %dma_wait3A_40 = arith.constant 0 : i32
      %dma_wait3A_41 = tpu.memref_slice %arg9[%mul3A_2, %dma_wait3A_40] : memref<10000x16xf32, #tpu.memory_space<vmem_shared>> -> memref<624x16xf32, #tpu.memory_space<vmem_shared>>
      tpu.wait_dma2 semaphore(%run_scoped3A : memref<!tpu.dma_semaphore, #tpu.memory_space<semaphore_mem>>) src(%dma_wait3A_41 : memref<624x16xf32, #tpu.memory_space<vmem_shared>>) dst(%dma_wait3A_39 : memref<624x16xf32, #tpu.memory_space<hbm>>)
      tpu.yield
    }) : () -> ()
    %eq3A_29 = arith.constant 15 : i32
    %eq3A_30 = arith.cmpi eq, %arg1, %eq3A_29 : i32
    %convert_element_type3A_31 = arith.extui %eq3A_30 : i1 to i32
    %cond3A_32 = arith.constant 0 : i32
    %cond3A_33 = arith.cmpi ne, %convert_element_type3A_31, %cond3A_32 : i32
    scf.if %cond3A_33 {
      "tpu.region"() ({
        %run_scoped3A = tpu.sem_alloc : memref<!tpu.dma_semaphore, #tpu.memory_space<semaphore_mem>>
        %dma_start3A = arith.constant 9984 : i32
        %dma_start3A_34 = arith.constant 0 : i32
        %dma_start3A_35 = tpu.memref_slice %arg5[%arg0, %dma_start3A, %dma_start3A_34] : memref<2x10000x16xf32, #tpu.memory_space<hbm>> -> memref<1x16x16xf32, #tpu.memory_space<hbm>>
        %dma_start3A_36 = tpu.memref_squeeze %dma_start3A_35 : memref<1x16x16xf32, #tpu.memory_space<hbm>> -> memref<16x16xf32, #tpu.memory_space<hbm>>
        %dma_start3A_37 = arith.constant 9984 : i32
        %dma_start3A_38 = arith.constant 0 : i32
        %dma_start3A_39 = tpu.memref_slice %arg9[%dma_start3A_37, %dma_start3A_38] : memref<10000x16xf32, #tpu.memory_space<vmem_shared>> -> memref<16x16xf32, #tpu.memory_space<vmem_shared>>
        tpu.enqueue_dma source(%dma_start3A_39 : memref<16x16xf32, #tpu.memory_space<vmem_shared>>) target(%dma_start3A_36 : memref<16x16xf32, #tpu.memory_space<hbm>>) target_semaphore(%run_scoped3A : memref<!tpu.dma_semaphore, #tpu.memory_space<semaphore_mem>>)
        %dma_wait3A = arith.constant 9984 : i32
        %dma_wait3A_40 = arith.constant 0 : i32
        %dma_wait3A_41 = tpu.memref_slice %arg5[%arg0, %dma_wait3A, %dma_wait3A_40] : memref<2x10000x16xf32, #tpu.memory_space<hbm>> -> memref<1x16x16xf32, #tpu.memory_space<hbm>>
        %dma_wait3A_42 = tpu.memref_squeeze %dma_wait3A_41 : memref<1x16x16xf32, #tpu.memory_space<hbm>> -> memref<16x16xf32, #tpu.memory_space<hbm>>
        %dma_wait3A_43 = arith.constant 9984 : i32
        %dma_wait3A_44 = arith.constant 0 : i32
        %dma_wait3A_45 = tpu.memref_slice %arg9[%dma_wait3A_43, %dma_wait3A_44] : memref<10000x16xf32, #tpu.memory_space<vmem_shared>> -> memref<16x16xf32, #tpu.memory_space<vmem_shared>>
        tpu.wait_dma2 semaphore(%run_scoped3A : memref<!tpu.dma_semaphore, #tpu.memory_space<semaphore_mem>>) src(%dma_wait3A_45 : memref<16x16xf32, #tpu.memory_space<vmem_shared>>) dst(%dma_wait3A_42 : memref<16x16xf32, #tpu.memory_space<hbm>>)
        tpu.yield
      }) : () -> ()
    } else {
    }
    return
  }
}

#map = affine_map<(d0, d1) -> (0, 0, 0)>
#map1 = affine_map<(d0, d1) -> (0, 0)>
module attributes {stable_mosaic.version = 14 : i64} {
  func.func @_edge_body(%arg0: i32, %arg1: i32, %arg2: memref<32x125x80xi32, #tpu.memory_space<hbm>>, %arg3: memref<32x125x80xi32, #tpu.memory_space<hbm>>, %arg4: memref<10000x128xf32, #tpu.memory_space<hbm>>, %arg5: memref<80x128xf32, #tpu.memory_space<hbm>>, %arg6: memref<2x10000x128xf32, #tpu.memory_space<hbm>>, %arg7: memref<125x80xi32, #tpu.memory_space<vmem>>, %arg8: memref<125x80xi32, #tpu.memory_space<vmem>>, %arg9: memref<80x128xf32, #tpu.memory_space<vmem>>, %arg10: memref<10000x128xf32, #tpu.memory_space<vmem_shared>>, %arg11: memref<!tpu.dma_semaphore, #tpu.memory_space<semaphore_mem>>) attributes {dimension_semantics = [#tpu.dimension_semantics<core_parallel>, #tpu.dimension_semantics<subcore_parallel>], iteration_bounds = array<i64: 2, 16>, scalar_prefetch = 0 : i64, scratch_operands = 5 : i64, tpu.core_type = #tpu.core_type<sc_vector_subcore>, window_params = [{transform_indices = #map}, {transform_indices = #map}, {transform_indices = #map1}, {transform_indices = #map1}, {transform_indices = #map}]} {
    %mul3A = arith.constant 2 : i32
    %mul3A_0 = arith.muli %arg1, %mul3A : i32
    %add3A = arith.addi %mul3A_0, %arg0 : i32
    "tpu.region"() ({
      %run_scoped3A = tpu.sem_alloc : memref<!tpu.dma_semaphore, #tpu.memory_space<semaphore_mem>>
      tpu.enqueue_dma source(%arg5 : memref<80x128xf32, #tpu.memory_space<hbm>>) target(%arg9 : memref<80x128xf32, #tpu.memory_space<vmem>>) target_semaphore(%run_scoped3A : memref<!tpu.dma_semaphore, #tpu.memory_space<semaphore_mem>>)
      tpu.wait_dma2 semaphore(%run_scoped3A : memref<!tpu.dma_semaphore, #tpu.memory_space<semaphore_mem>>) src(%arg5 : memref<80x128xf32, #tpu.memory_space<hbm>>) dst(%arg9 : memref<80x128xf32, #tpu.memory_space<vmem>>)
      tpu.yield
    }) : () -> ()
    %mul3A_1 = arith.constant 624 : i32
    %mul3A_2 = arith.muli %arg1, %mul3A_1 : i32
    %add3A_3 = arith.constant 0 : i32
    %add3A_4 = arith.addi %mul3A_2, %add3A_3 : i32
    "tpu.region"() ({
      %run_scoped3A = tpu.sem_alloc : memref<!tpu.dma_semaphore, #tpu.memory_space<semaphore_mem>>
      %dma_start3A = arith.constant 0 : i32
      %dma_start3A_34 = tpu.memref_slice %arg10[%add3A_4, %dma_start3A] : memref<10000x128xf32, #tpu.memory_space<vmem_shared>> -> memref<80x128xf32, #tpu.memory_space<vmem_shared>>
      %dma_start3A_35 = arith.constant 0 : i32
      %dma_start3A_36 = tpu.memref_slice %arg10[%add3A_4, %dma_start3A_35] : memref<10000x128xf32, #tpu.memory_space<vmem_shared>> -> memref<80x128xf32, #tpu.memory_space<vmem_shared>>
      tpu.enqueue_dma source(%arg9 : memref<80x128xf32, #tpu.memory_space<vmem>>) target(%dma_start3A_36 : memref<80x128xf32, #tpu.memory_space<vmem_shared>>) target_semaphore(%run_scoped3A : memref<!tpu.dma_semaphore, #tpu.memory_space<semaphore_mem>>)
      %dma_wait3A = arith.constant 0 : i32
      %dma_wait3A_37 = tpu.memref_slice %arg10[%add3A_4, %dma_wait3A] : memref<10000x128xf32, #tpu.memory_space<vmem_shared>> -> memref<80x128xf32, #tpu.memory_space<vmem_shared>>
      %dma_wait3A_38 = arith.constant 0 : i32
      %dma_wait3A_39 = tpu.memref_slice %arg10[%add3A_4, %dma_wait3A_38] : memref<10000x128xf32, #tpu.memory_space<vmem_shared>> -> memref<80x128xf32, #tpu.memory_space<vmem_shared>>
      tpu.wait_dma2 semaphore(%run_scoped3A : memref<!tpu.dma_semaphore, #tpu.memory_space<semaphore_mem>>) src(%arg9 : memref<80x128xf32, #tpu.memory_space<vmem>>) dst(%dma_wait3A_39 : memref<80x128xf32, #tpu.memory_space<vmem_shared>>)
      tpu.yield
    }) : () -> ()
    %add3A_5 = arith.constant 80 : i32
    %add3A_6 = arith.addi %mul3A_2, %add3A_5 : i32
    "tpu.region"() ({
      %run_scoped3A = tpu.sem_alloc : memref<!tpu.dma_semaphore, #tpu.memory_space<semaphore_mem>>
      %dma_start3A = arith.constant 0 : i32
      %dma_start3A_34 = tpu.memref_slice %arg10[%add3A_6, %dma_start3A] : memref<10000x128xf32, #tpu.memory_space<vmem_shared>> -> memref<80x128xf32, #tpu.memory_space<vmem_shared>>
      %dma_start3A_35 = arith.constant 0 : i32
      %dma_start3A_36 = tpu.memref_slice %arg10[%add3A_6, %dma_start3A_35] : memref<10000x128xf32, #tpu.memory_space<vmem_shared>> -> memref<80x128xf32, #tpu.memory_space<vmem_shared>>
      tpu.enqueue_dma source(%arg9 : memref<80x128xf32, #tpu.memory_space<vmem>>) target(%dma_start3A_36 : memref<80x128xf32, #tpu.memory_space<vmem_shared>>) target_semaphore(%run_scoped3A : memref<!tpu.dma_semaphore, #tpu.memory_space<semaphore_mem>>)
      %dma_wait3A = arith.constant 0 : i32
      %dma_wait3A_37 = tpu.memref_slice %arg10[%add3A_6, %dma_wait3A] : memref<10000x128xf32, #tpu.memory_space<vmem_shared>> -> memref<80x128xf32, #tpu.memory_space<vmem_shared>>
      %dma_wait3A_38 = arith.constant 0 : i32
      %dma_wait3A_39 = tpu.memref_slice %arg10[%add3A_6, %dma_wait3A_38] : memref<10000x128xf32, #tpu.memory_space<vmem_shared>> -> memref<80x128xf32, #tpu.memory_space<vmem_shared>>
      tpu.wait_dma2 semaphore(%run_scoped3A : memref<!tpu.dma_semaphore, #tpu.memory_space<semaphore_mem>>) src(%arg9 : memref<80x128xf32, #tpu.memory_space<vmem>>) dst(%dma_wait3A_39 : memref<80x128xf32, #tpu.memory_space<vmem_shared>>)
      tpu.yield
    }) : () -> ()
    %add3A_7 = arith.constant 160 : i32
    %add3A_8 = arith.addi %mul3A_2, %add3A_7 : i32
    "tpu.region"() ({
      %run_scoped3A = tpu.sem_alloc : memref<!tpu.dma_semaphore, #tpu.memory_space<semaphore_mem>>
      %dma_start3A = arith.constant 0 : i32
      %dma_start3A_34 = tpu.memref_slice %arg10[%add3A_8, %dma_start3A] : memref<10000x128xf32, #tpu.memory_space<vmem_shared>> -> memref<80x128xf32, #tpu.memory_space<vmem_shared>>
      %dma_start3A_35 = arith.constant 0 : i32
      %dma_start3A_36 = tpu.memref_slice %arg10[%add3A_8, %dma_start3A_35] : memref<10000x128xf32, #tpu.memory_space<vmem_shared>> -> memref<80x128xf32, #tpu.memory_space<vmem_shared>>
      tpu.enqueue_dma source(%arg9 : memref<80x128xf32, #tpu.memory_space<vmem>>) target(%dma_start3A_36 : memref<80x128xf32, #tpu.memory_space<vmem_shared>>) target_semaphore(%run_scoped3A : memref<!tpu.dma_semaphore, #tpu.memory_space<semaphore_mem>>)
      %dma_wait3A = arith.constant 0 : i32
      %dma_wait3A_37 = tpu.memref_slice %arg10[%add3A_8, %dma_wait3A] : memref<10000x128xf32, #tpu.memory_space<vmem_shared>> -> memref<80x128xf32, #tpu.memory_space<vmem_shared>>
      %dma_wait3A_38 = arith.constant 0 : i32
      %dma_wait3A_39 = tpu.memref_slice %arg10[%add3A_8, %dma_wait3A_38] : memref<10000x128xf32, #tpu.memory_space<vmem_shared>> -> memref<80x128xf32, #tpu.memory_space<vmem_shared>>
      tpu.wait_dma2 semaphore(%run_scoped3A : memref<!tpu.dma_semaphore, #tpu.memory_space<semaphore_mem>>) src(%arg9 : memref<80x128xf32, #tpu.memory_space<vmem>>) dst(%dma_wait3A_39 : memref<80x128xf32, #tpu.memory_space<vmem_shared>>)
      tpu.yield
    }) : () -> ()
    %add3A_9 = arith.constant 240 : i32
    %add3A_10 = arith.addi %mul3A_2, %add3A_9 : i32
    "tpu.region"() ({
      %run_scoped3A = tpu.sem_alloc : memref<!tpu.dma_semaphore, #tpu.memory_space<semaphore_mem>>
      %dma_start3A = arith.constant 0 : i32
      %dma_start3A_34 = tpu.memref_slice %arg10[%add3A_10, %dma_start3A] : memref<10000x128xf32, #tpu.memory_space<vmem_shared>> -> memref<80x128xf32, #tpu.memory_space<vmem_shared>>
      %dma_start3A_35 = arith.constant 0 : i32
      %dma_start3A_36 = tpu.memref_slice %arg10[%add3A_10, %dma_start3A_35] : memref<10000x128xf32, #tpu.memory_space<vmem_shared>> -> memref<80x128xf32, #tpu.memory_space<vmem_shared>>
      tpu.enqueue_dma source(%arg9 : memref<80x128xf32, #tpu.memory_space<vmem>>) target(%dma_start3A_36 : memref<80x128xf32, #tpu.memory_space<vmem_shared>>) target_semaphore(%run_scoped3A : memref<!tpu.dma_semaphore, #tpu.memory_space<semaphore_mem>>)
      %dma_wait3A = arith.constant 0 : i32
      %dma_wait3A_37 = tpu.memref_slice %arg10[%add3A_10, %dma_wait3A] : memref<10000x128xf32, #tpu.memory_space<vmem_shared>> -> memref<80x128xf32, #tpu.memory_space<vmem_shared>>
      %dma_wait3A_38 = arith.constant 0 : i32
      %dma_wait3A_39 = tpu.memref_slice %arg10[%add3A_10, %dma_wait3A_38] : memref<10000x128xf32, #tpu.memory_space<vmem_shared>> -> memref<80x128xf32, #tpu.memory_space<vmem_shared>>
      tpu.wait_dma2 semaphore(%run_scoped3A : memref<!tpu.dma_semaphore, #tpu.memory_space<semaphore_mem>>) src(%arg9 : memref<80x128xf32, #tpu.memory_space<vmem>>) dst(%dma_wait3A_39 : memref<80x128xf32, #tpu.memory_space<vmem_shared>>)
      tpu.yield
    }) : () -> ()
    %add3A_11 = arith.constant 320 : i32
    %add3A_12 = arith.addi %mul3A_2, %add3A_11 : i32
    "tpu.region"() ({
      %run_scoped3A = tpu.sem_alloc : memref<!tpu.dma_semaphore, #tpu.memory_space<semaphore_mem>>
      %dma_start3A = arith.constant 0 : i32
      %dma_start3A_34 = tpu.memref_slice %arg10[%add3A_12, %dma_start3A] : memref<10000x128xf32, #tpu.memory_space<vmem_shared>> -> memref<80x128xf32, #tpu.memory_space<vmem_shared>>
      %dma_start3A_35 = arith.constant 0 : i32
      %dma_start3A_36 = tpu.memref_slice %arg10[%add3A_12, %dma_start3A_35] : memref<10000x128xf32, #tpu.memory_space<vmem_shared>> -> memref<80x128xf32, #tpu.memory_space<vmem_shared>>
      tpu.enqueue_dma source(%arg9 : memref<80x128xf32, #tpu.memory_space<vmem>>) target(%dma_start3A_36 : memref<80x128xf32, #tpu.memory_space<vmem_shared>>) target_semaphore(%run_scoped3A : memref<!tpu.dma_semaphore, #tpu.memory_space<semaphore_mem>>)
      %dma_wait3A = arith.constant 0 : i32
      %dma_wait3A_37 = tpu.memref_slice %arg10[%add3A_12, %dma_wait3A] : memref<10000x128xf32, #tpu.memory_space<vmem_shared>> -> memref<80x128xf32, #tpu.memory_space<vmem_shared>>
      %dma_wait3A_38 = arith.constant 0 : i32
      %dma_wait3A_39 = tpu.memref_slice %arg10[%add3A_12, %dma_wait3A_38] : memref<10000x128xf32, #tpu.memory_space<vmem_shared>> -> memref<80x128xf32, #tpu.memory_space<vmem_shared>>
      tpu.wait_dma2 semaphore(%run_scoped3A : memref<!tpu.dma_semaphore, #tpu.memory_space<semaphore_mem>>) src(%arg9 : memref<80x128xf32, #tpu.memory_space<vmem>>) dst(%dma_wait3A_39 : memref<80x128xf32, #tpu.memory_space<vmem_shared>>)
      tpu.yield
    }) : () -> ()
    %add3A_13 = arith.constant 400 : i32
    %add3A_14 = arith.addi %mul3A_2, %add3A_13 : i32
    "tpu.region"() ({
      %run_scoped3A = tpu.sem_alloc : memref<!tpu.dma_semaphore, #tpu.memory_space<semaphore_mem>>
      %dma_start3A = arith.constant 0 : i32
      %dma_start3A_34 = tpu.memref_slice %arg10[%add3A_14, %dma_start3A] : memref<10000x128xf32, #tpu.memory_space<vmem_shared>> -> memref<80x128xf32, #tpu.memory_space<vmem_shared>>
      %dma_start3A_35 = arith.constant 0 : i32
      %dma_start3A_36 = tpu.memref_slice %arg10[%add3A_14, %dma_start3A_35] : memref<10000x128xf32, #tpu.memory_space<vmem_shared>> -> memref<80x128xf32, #tpu.memory_space<vmem_shared>>
      tpu.enqueue_dma source(%arg9 : memref<80x128xf32, #tpu.memory_space<vmem>>) target(%dma_start3A_36 : memref<80x128xf32, #tpu.memory_space<vmem_shared>>) target_semaphore(%run_scoped3A : memref<!tpu.dma_semaphore, #tpu.memory_space<semaphore_mem>>)
      %dma_wait3A = arith.constant 0 : i32
      %dma_wait3A_37 = tpu.memref_slice %arg10[%add3A_14, %dma_wait3A] : memref<10000x128xf32, #tpu.memory_space<vmem_shared>> -> memref<80x128xf32, #tpu.memory_space<vmem_shared>>
      %dma_wait3A_38 = arith.constant 0 : i32
      %dma_wait3A_39 = tpu.memref_slice %arg10[%add3A_14, %dma_wait3A_38] : memref<10000x128xf32, #tpu.memory_space<vmem_shared>> -> memref<80x128xf32, #tpu.memory_space<vmem_shared>>
      tpu.wait_dma2 semaphore(%run_scoped3A : memref<!tpu.dma_semaphore, #tpu.memory_space<semaphore_mem>>) src(%arg9 : memref<80x128xf32, #tpu.memory_space<vmem>>) dst(%dma_wait3A_39 : memref<80x128xf32, #tpu.memory_space<vmem_shared>>)
      tpu.yield
    }) : () -> ()
    %add3A_15 = arith.constant 480 : i32
    %add3A_16 = arith.addi %mul3A_2, %add3A_15 : i32
    "tpu.region"() ({
      %run_scoped3A = tpu.sem_alloc : memref<!tpu.dma_semaphore, #tpu.memory_space<semaphore_mem>>
      %dma_start3A = arith.constant 0 : i32
      %dma_start3A_34 = tpu.memref_slice %arg10[%add3A_16, %dma_start3A] : memref<10000x128xf32, #tpu.memory_space<vmem_shared>> -> memref<80x128xf32, #tpu.memory_space<vmem_shared>>
      %dma_start3A_35 = arith.constant 0 : i32
      %dma_start3A_36 = tpu.memref_slice %arg10[%add3A_16, %dma_start3A_35] : memref<10000x128xf32, #tpu.memory_space<vmem_shared>> -> memref<80x128xf32, #tpu.memory_space<vmem_shared>>
      tpu.enqueue_dma source(%arg9 : memref<80x128xf32, #tpu.memory_space<vmem>>) target(%dma_start3A_36 : memref<80x128xf32, #tpu.memory_space<vmem_shared>>) target_semaphore(%run_scoped3A : memref<!tpu.dma_semaphore, #tpu.memory_space<semaphore_mem>>)
      %dma_wait3A = arith.constant 0 : i32
      %dma_wait3A_37 = tpu.memref_slice %arg10[%add3A_16, %dma_wait3A] : memref<10000x128xf32, #tpu.memory_space<vmem_shared>> -> memref<80x128xf32, #tpu.memory_space<vmem_shared>>
      %dma_wait3A_38 = arith.constant 0 : i32
      %dma_wait3A_39 = tpu.memref_slice %arg10[%add3A_16, %dma_wait3A_38] : memref<10000x128xf32, #tpu.memory_space<vmem_shared>> -> memref<80x128xf32, #tpu.memory_space<vmem_shared>>
      tpu.wait_dma2 semaphore(%run_scoped3A : memref<!tpu.dma_semaphore, #tpu.memory_space<semaphore_mem>>) src(%arg9 : memref<80x128xf32, #tpu.memory_space<vmem>>) dst(%dma_wait3A_39 : memref<80x128xf32, #tpu.memory_space<vmem_shared>>)
      tpu.yield
    }) : () -> ()
    %add3A_17 = arith.constant 560 : i32
    %add3A_18 = arith.addi %mul3A_2, %add3A_17 : i32
    "tpu.region"() ({
      %run_scoped3A = tpu.sem_alloc : memref<!tpu.dma_semaphore, #tpu.memory_space<semaphore_mem>>
      %dma_start3A = arith.constant 0 : i32
      %dma_start3A_34 = arith.constant 0 : i32
      %dma_start3A_35 = tpu.memref_slice %arg9[%dma_start3A, %dma_start3A_34] : memref<80x128xf32, #tpu.memory_space<vmem>> -> memref<64x128xf32, #tpu.memory_space<vmem>>
      %dma_start3A_36 = arith.constant 0 : i32
      %dma_start3A_37 = tpu.memref_slice %arg10[%add3A_18, %dma_start3A_36] : memref<10000x128xf32, #tpu.memory_space<vmem_shared>> -> memref<64x128xf32, #tpu.memory_space<vmem_shared>>
      %dma_start3A_38 = arith.constant 0 : i32
      %dma_start3A_39 = tpu.memref_slice %arg10[%add3A_18, %dma_start3A_38] : memref<10000x128xf32, #tpu.memory_space<vmem_shared>> -> memref<64x128xf32, #tpu.memory_space<vmem_shared>>
      %dma_start3A_40 = arith.constant 0 : i32
      %dma_start3A_41 = arith.constant 0 : i32
      %dma_start3A_42 = tpu.memref_slice %arg9[%dma_start3A_40, %dma_start3A_41] : memref<80x128xf32, #tpu.memory_space<vmem>> -> memref<64x128xf32, #tpu.memory_space<vmem>>
      tpu.enqueue_dma source(%dma_start3A_42 : memref<64x128xf32, #tpu.memory_space<vmem>>) target(%dma_start3A_39 : memref<64x128xf32, #tpu.memory_space<vmem_shared>>) target_semaphore(%run_scoped3A : memref<!tpu.dma_semaphore, #tpu.memory_space<semaphore_mem>>)
      %dma_wait3A = arith.constant 0 : i32
      %dma_wait3A_43 = arith.constant 0 : i32
      %dma_wait3A_44 = tpu.memref_slice %arg9[%dma_wait3A, %dma_wait3A_43] : memref<80x128xf32, #tpu.memory_space<vmem>> -> memref<64x128xf32, #tpu.memory_space<vmem>>
      %dma_wait3A_45 = arith.constant 0 : i32
      %dma_wait3A_46 = tpu.memref_slice %arg10[%add3A_18, %dma_wait3A_45] : memref<10000x128xf32, #tpu.memory_space<vmem_shared>> -> memref<64x128xf32, #tpu.memory_space<vmem_shared>>
      %dma_wait3A_47 = arith.constant 0 : i32
      %dma_wait3A_48 = tpu.memref_slice %arg10[%add3A_18, %dma_wait3A_47] : memref<10000x128xf32, #tpu.memory_space<vmem_shared>> -> memref<64x128xf32, #tpu.memory_space<vmem_shared>>
      %dma_wait3A_49 = arith.constant 0 : i32
      %dma_wait3A_50 = arith.constant 0 : i32
      %dma_wait3A_51 = tpu.memref_slice %arg9[%dma_wait3A_49, %dma_wait3A_50] : memref<80x128xf32, #tpu.memory_space<vmem>> -> memref<64x128xf32, #tpu.memory_space<vmem>>
      tpu.wait_dma2 semaphore(%run_scoped3A : memref<!tpu.dma_semaphore, #tpu.memory_space<semaphore_mem>>) src(%dma_wait3A_51 : memref<64x128xf32, #tpu.memory_space<vmem>>) dst(%dma_wait3A_48 : memref<64x128xf32, #tpu.memory_space<vmem_shared>>)
      tpu.yield
    }) : () -> ()
    %eq3A = arith.constant 15 : i32
    %eq3A_19 = arith.cmpi eq, %arg1, %eq3A : i32
    %convert_element_type3A = arith.extui %eq3A_19 : i1 to i32
    %cond3A = arith.constant 0 : i32
    %cond3A_20 = arith.cmpi ne, %convert_element_type3A, %cond3A : i32
    scf.if %cond3A_20 {
      "tpu.region"() ({
        %run_scoped3A = tpu.sem_alloc : memref<!tpu.dma_semaphore, #tpu.memory_space<semaphore_mem>>
        %dma_start3A = arith.constant 0 : i32
        %dma_start3A_34 = arith.constant 0 : i32
        %dma_start3A_35 = tpu.memref_slice %arg9[%dma_start3A, %dma_start3A_34] : memref<80x128xf32, #tpu.memory_space<vmem>> -> memref<16x128xf32, #tpu.memory_space<vmem>>
        %dma_start3A_36 = arith.constant 9984 : i32
        %dma_start3A_37 = arith.constant 0 : i32
        %dma_start3A_38 = tpu.memref_slice %arg10[%dma_start3A_36, %dma_start3A_37] : memref<10000x128xf32, #tpu.memory_space<vmem_shared>> -> memref<16x128xf32, #tpu.memory_space<vmem_shared>>
        %dma_start3A_39 = arith.constant 9984 : i32
        %dma_start3A_40 = arith.constant 0 : i32
        %dma_start3A_41 = tpu.memref_slice %arg10[%dma_start3A_39, %dma_start3A_40] : memref<10000x128xf32, #tpu.memory_space<vmem_shared>> -> memref<16x128xf32, #tpu.memory_space<vmem_shared>>
        %dma_start3A_42 = arith.constant 0 : i32
        %dma_start3A_43 = arith.constant 0 : i32
        %dma_start3A_44 = tpu.memref_slice %arg9[%dma_start3A_42, %dma_start3A_43] : memref<80x128xf32, #tpu.memory_space<vmem>> -> memref<16x128xf32, #tpu.memory_space<vmem>>
        tpu.enqueue_dma source(%dma_start3A_44 : memref<16x128xf32, #tpu.memory_space<vmem>>) target(%dma_start3A_41 : memref<16x128xf32, #tpu.memory_space<vmem_shared>>) target_semaphore(%run_scoped3A : memref<!tpu.dma_semaphore, #tpu.memory_space<semaphore_mem>>)
        %dma_wait3A = arith.constant 0 : i32
        %dma_wait3A_45 = arith.constant 0 : i32
        %dma_wait3A_46 = tpu.memref_slice %arg9[%dma_wait3A, %dma_wait3A_45] : memref<80x128xf32, #tpu.memory_space<vmem>> -> memref<16x128xf32, #tpu.memory_space<vmem>>
        %dma_wait3A_47 = arith.constant 9984 : i32
        %dma_wait3A_48 = arith.constant 0 : i32
        %dma_wait3A_49 = tpu.memref_slice %arg10[%dma_wait3A_47, %dma_wait3A_48] : memref<10000x128xf32, #tpu.memory_space<vmem_shared>> -> memref<16x128xf32, #tpu.memory_space<vmem_shared>>
        %dma_wait3A_50 = arith.constant 9984 : i32
        %dma_wait3A_51 = arith.constant 0 : i32
        %dma_wait3A_52 = tpu.memref_slice %arg10[%dma_wait3A_50, %dma_wait3A_51] : memref<10000x128xf32, #tpu.memory_space<vmem_shared>> -> memref<16x128xf32, #tpu.memory_space<vmem_shared>>
        %dma_wait3A_53 = arith.constant 0 : i32
        %dma_wait3A_54 = arith.constant 0 : i32
        %dma_wait3A_55 = tpu.memref_slice %arg9[%dma_wait3A_53, %dma_wait3A_54] : memref<80x128xf32, #tpu.memory_space<vmem>> -> memref<16x128xf32, #tpu.memory_space<vmem>>
        tpu.wait_dma2 semaphore(%run_scoped3A : memref<!tpu.dma_semaphore, #tpu.memory_space<semaphore_mem>>) src(%dma_wait3A_55 : memref<16x128xf32, #tpu.memory_space<vmem>>) dst(%dma_wait3A_52 : memref<16x128xf32, #tpu.memory_space<vmem_shared>>)
        tpu.yield
      }) : () -> ()
    } else {
    }
    "tpu.region"() ({
      %run_scoped3A = tpu.sem_alloc : memref<!tpu.dma_semaphore, #tpu.memory_space<semaphore_mem>>
      %dma_start3A = arith.constant 0 : i32
      %dma_start3A_34 = arith.constant 0 : i32
      %dma_start3A_35 = tpu.memref_slice %arg9[%dma_start3A, %dma_start3A_34] : memref<80x128xf32, #tpu.memory_space<vmem>> -> memref<8x128xf32, #tpu.memory_space<vmem>>
      %dma_start3A_36 = arith.constant 0 : i32
      %dma_start3A_37 = tpu.memref_slice %arg10[%mul3A_2, %dma_start3A_36] : memref<10000x128xf32, #tpu.memory_space<vmem_shared>> -> memref<8x128xf32, #tpu.memory_space<vmem_shared>>
      %dma_start3A_38 = arith.constant 0 : i32
      %dma_start3A_39 = arith.constant 0 : i32
      %dma_start3A_40 = tpu.memref_slice %arg9[%dma_start3A_38, %dma_start3A_39] : memref<80x128xf32, #tpu.memory_space<vmem>> -> memref<8x128xf32, #tpu.memory_space<vmem>>
      %dma_start3A_41 = arith.constant 0 : i32
      %dma_start3A_42 = tpu.memref_slice %arg10[%mul3A_2, %dma_start3A_41] : memref<10000x128xf32, #tpu.memory_space<vmem_shared>> -> memref<8x128xf32, #tpu.memory_space<vmem_shared>>
      tpu.enqueue_dma source(%dma_start3A_42 : memref<8x128xf32, #tpu.memory_space<vmem_shared>>) target(%dma_start3A_40 : memref<8x128xf32, #tpu.memory_space<vmem>>) target_semaphore(%run_scoped3A : memref<!tpu.dma_semaphore, #tpu.memory_space<semaphore_mem>>)
      %dma_wait3A = arith.constant 0 : i32
      %dma_wait3A_43 = arith.constant 0 : i32
      %dma_wait3A_44 = tpu.memref_slice %arg9[%dma_wait3A, %dma_wait3A_43] : memref<80x128xf32, #tpu.memory_space<vmem>> -> memref<8x128xf32, #tpu.memory_space<vmem>>
      %dma_wait3A_45 = arith.constant 0 : i32
      %dma_wait3A_46 = tpu.memref_slice %arg10[%mul3A_2, %dma_wait3A_45] : memref<10000x128xf32, #tpu.memory_space<vmem_shared>> -> memref<8x128xf32, #tpu.memory_space<vmem_shared>>
      %dma_wait3A_47 = arith.constant 0 : i32
      %dma_wait3A_48 = arith.constant 0 : i32
      %dma_wait3A_49 = tpu.memref_slice %arg9[%dma_wait3A_47, %dma_wait3A_48] : memref<80x128xf32, #tpu.memory_space<vmem>> -> memref<8x128xf32, #tpu.memory_space<vmem>>
      %dma_wait3A_50 = arith.constant 0 : i32
      %dma_wait3A_51 = tpu.memref_slice %arg10[%mul3A_2, %dma_wait3A_50] : memref<10000x128xf32, #tpu.memory_space<vmem_shared>> -> memref<8x128xf32, #tpu.memory_space<vmem_shared>>
      tpu.wait_dma2 semaphore(%run_scoped3A : memref<!tpu.dma_semaphore, #tpu.memory_space<semaphore_mem>>) src(%dma_wait3A_51 : memref<8x128xf32, #tpu.memory_space<vmem_shared>>) dst(%dma_wait3A_49 : memref<8x128xf32, #tpu.memory_space<vmem>>)
      tpu.yield
    }) : () -> ()
    %barrier3A = arith.constant 0 : index
    tpu.barrier barrier_id(%barrier3A)
    "tpu.region"() ({
      %run_scoped3A = tpu.sem_alloc : memref<!tpu.dma_semaphore, #tpu.memory_space<semaphore_mem>>
      %dma_start3A = arith.constant 0 : i32
      %dma_start3A_34 = arith.constant 0 : i32
      %dma_start3A_35 = tpu.memref_slice %arg2[%add3A, %dma_start3A, %dma_start3A_34] : memref<32x125x80xi32, #tpu.memory_space<hbm>> -> memref<1x125x80xi32, #tpu.memory_space<hbm>>
      %dma_start3A_36 = tpu.memref_squeeze %dma_start3A_35 : memref<1x125x80xi32, #tpu.memory_space<hbm>> -> memref<125x80xi32, #tpu.memory_space<hbm>>
      %dma_start3A_37 = arith.constant 0 : i32
      %dma_start3A_38 = arith.constant 0 : i32
      %dma_start3A_39 = tpu.memref_slice %arg2[%add3A, %dma_start3A_37, %dma_start3A_38] : memref<32x125x80xi32, #tpu.memory_space<hbm>> -> memref<1x125x80xi32, #tpu.memory_space<hbm>>
      %dma_start3A_40 = tpu.memref_squeeze %dma_start3A_39 : memref<1x125x80xi32, #tpu.memory_space<hbm>> -> memref<125x80xi32, #tpu.memory_space<hbm>>
      tpu.enqueue_dma source(%dma_start3A_40 : memref<125x80xi32, #tpu.memory_space<hbm>>) target(%arg7 : memref<125x80xi32, #tpu.memory_space<vmem>>) target_semaphore(%run_scoped3A : memref<!tpu.dma_semaphore, #tpu.memory_space<semaphore_mem>>)
      %dma_wait3A = arith.constant 0 : i32
      %dma_wait3A_41 = arith.constant 0 : i32
      %dma_wait3A_42 = tpu.memref_slice %arg2[%add3A, %dma_wait3A, %dma_wait3A_41] : memref<32x125x80xi32, #tpu.memory_space<hbm>> -> memref<1x125x80xi32, #tpu.memory_space<hbm>>
      %dma_wait3A_43 = tpu.memref_squeeze %dma_wait3A_42 : memref<1x125x80xi32, #tpu.memory_space<hbm>> -> memref<125x80xi32, #tpu.memory_space<hbm>>
      %dma_wait3A_44 = arith.constant 0 : i32
      %dma_wait3A_45 = arith.constant 0 : i32
      %dma_wait3A_46 = tpu.memref_slice %arg2[%add3A, %dma_wait3A_44, %dma_wait3A_45] : memref<32x125x80xi32, #tpu.memory_space<hbm>> -> memref<1x125x80xi32, #tpu.memory_space<hbm>>
      %dma_wait3A_47 = tpu.memref_squeeze %dma_wait3A_46 : memref<1x125x80xi32, #tpu.memory_space<hbm>> -> memref<125x80xi32, #tpu.memory_space<hbm>>
      tpu.wait_dma2 semaphore(%run_scoped3A : memref<!tpu.dma_semaphore, #tpu.memory_space<semaphore_mem>>) src(%dma_wait3A_47 : memref<125x80xi32, #tpu.memory_space<hbm>>) dst(%arg7 : memref<125x80xi32, #tpu.memory_space<vmem>>)
      tpu.yield
    }) : () -> ()
    "tpu.region"() ({
      %run_scoped3A = tpu.sem_alloc : memref<!tpu.dma_semaphore, #tpu.memory_space<semaphore_mem>>
      %dma_start3A = arith.constant 0 : i32
      %dma_start3A_34 = arith.constant 0 : i32
      %dma_start3A_35 = tpu.memref_slice %arg3[%add3A, %dma_start3A, %dma_start3A_34] : memref<32x125x80xi32, #tpu.memory_space<hbm>> -> memref<1x125x80xi32, #tpu.memory_space<hbm>>
      %dma_start3A_36 = tpu.memref_squeeze %dma_start3A_35 : memref<1x125x80xi32, #tpu.memory_space<hbm>> -> memref<125x80xi32, #tpu.memory_space<hbm>>
      %dma_start3A_37 = arith.constant 0 : i32
      %dma_start3A_38 = arith.constant 0 : i32
      %dma_start3A_39 = tpu.memref_slice %arg3[%add3A, %dma_start3A_37, %dma_start3A_38] : memref<32x125x80xi32, #tpu.memory_space<hbm>> -> memref<1x125x80xi32, #tpu.memory_space<hbm>>
      %dma_start3A_40 = tpu.memref_squeeze %dma_start3A_39 : memref<1x125x80xi32, #tpu.memory_space<hbm>> -> memref<125x80xi32, #tpu.memory_space<hbm>>
      tpu.enqueue_dma source(%dma_start3A_40 : memref<125x80xi32, #tpu.memory_space<hbm>>) target(%arg8 : memref<125x80xi32, #tpu.memory_space<vmem>>) target_semaphore(%run_scoped3A : memref<!tpu.dma_semaphore, #tpu.memory_space<semaphore_mem>>)
      %dma_wait3A = arith.constant 0 : i32
      %dma_wait3A_41 = arith.constant 0 : i32
      %dma_wait3A_42 = tpu.memref_slice %arg3[%add3A, %dma_wait3A, %dma_wait3A_41] : memref<32x125x80xi32, #tpu.memory_space<hbm>> -> memref<1x125x80xi32, #tpu.memory_space<hbm>>
      %dma_wait3A_43 = tpu.memref_squeeze %dma_wait3A_42 : memref<1x125x80xi32, #tpu.memory_space<hbm>> -> memref<125x80xi32, #tpu.memory_space<hbm>>
      %dma_wait3A_44 = arith.constant 0 : i32
      %dma_wait3A_45 = arith.constant 0 : i32
      %dma_wait3A_46 = tpu.memref_slice %arg3[%add3A, %dma_wait3A_44, %dma_wait3A_45] : memref<32x125x80xi32, #tpu.memory_space<hbm>> -> memref<1x125x80xi32, #tpu.memory_space<hbm>>
      %dma_wait3A_47 = tpu.memref_squeeze %dma_wait3A_46 : memref<1x125x80xi32, #tpu.memory_space<hbm>> -> memref<125x80xi32, #tpu.memory_space<hbm>>
      tpu.wait_dma2 semaphore(%run_scoped3A : memref<!tpu.dma_semaphore, #tpu.memory_space<semaphore_mem>>) src(%dma_wait3A_47 : memref<125x80xi32, #tpu.memory_space<hbm>>) dst(%arg8 : memref<125x80xi32, #tpu.memory_space<vmem>>)
      tpu.yield
    }) : () -> ()
    %barrier3A_21 = arith.constant 0 : index
    tpu.barrier barrier_id(%barrier3A_21)
    %scan3A = arith.constant 0 : i32
    %scan3A_22 = arith.constant 0 : i32
    %scan3A_23 = arith.constant 125 : i32
    %scan3A_24 = arith.addi %scan3A_22, %scan3A_23 : i32
    %scan3A_25 = arith.constant 1 : i32
    %scan3A_26 = scf.for %scan3A_34 = %scan3A_22 to %scan3A_24 step %scan3A_25 iter_args(%scan3A_35 = %scan3A) -> (i32)  : i32 {
      %dma_start3A = arith.constant 0 : i32
      %dma_start3A_36 = tpu.memref_slice %arg7[%scan3A_34, %dma_start3A] : memref<125x80xi32, #tpu.memory_space<vmem>> -> memref<1x80xi32, #tpu.memory_space<vmem>>
      %dma_start3A_37 = tpu.memref_squeeze %dma_start3A_36 : memref<1x80xi32, #tpu.memory_space<vmem>> -> memref<80xi32, #tpu.memory_space<vmem>>
      %dma_start3A_38 = arith.constant 0 : i32
      %dma_start3A_39 = arith.constant 0 : i32
      %dma_start3A_40 = tpu.memref_slice %arg4[%dma_start3A_38, %dma_start3A_39] : memref<10000x128xf32, #tpu.memory_space<hbm>> -> memref<10000x128xf32, #tpu.memory_space<hbm>>
      tpu.enqueue_indirect_dma source(%dma_start3A_40 : memref<10000x128xf32, #tpu.memory_space<hbm>>) target(%arg9 : memref<80x128xf32, #tpu.memory_space<vmem>>) offsets(%dma_start3A_37 : memref<80xi32, #tpu.memory_space<vmem>>) semaphore(%arg11 : memref<!tpu.dma_semaphore, #tpu.memory_space<semaphore_mem>>)
      %dma_wait3A = arith.constant 0 : i32
      %dma_wait3A_41 = tpu.memref_slice %arg7[%scan3A_34, %dma_wait3A] : memref<125x80xi32, #tpu.memory_space<vmem>> -> memref<1x80xi32, #tpu.memory_space<vmem>>
      %dma_wait3A_42 = tpu.memref_squeeze %dma_wait3A_41 : memref<1x80xi32, #tpu.memory_space<vmem>> -> memref<80xi32, #tpu.memory_space<vmem>>
      %dma_wait3A_43 = arith.constant 0 : i32
      %dma_wait3A_44 = arith.constant 0 : i32
      %dma_wait3A_45 = tpu.memref_slice %arg4[%dma_wait3A_43, %dma_wait3A_44] : memref<10000x128xf32, #tpu.memory_space<hbm>> -> memref<10000x128xf32, #tpu.memory_space<hbm>>
      tpu.wait_indirect_dma semaphore(%arg11 : memref<!tpu.dma_semaphore, #tpu.memory_space<semaphore_mem>>) src(%dma_wait3A_45 : memref<10000x128xf32, #tpu.memory_space<hbm>>) dst(%arg9 : memref<80x128xf32, #tpu.memory_space<vmem>>)
      "tpu.region"() ({
        %run_scoped3A = tpu.sem_alloc : memref<!tpu.dma_semaphore, #tpu.memory_space<semaphore_mem>>
        %dma_start3A_47 = arith.constant 0 : i32
        %dma_start3A_48 = tpu.memref_slice %arg8[%scan3A_34, %dma_start3A_47] : memref<125x80xi32, #tpu.memory_space<vmem>> -> memref<1x80xi32, #tpu.memory_space<vmem>>
        %dma_start3A_49 = tpu.memref_squeeze %dma_start3A_48 : memref<1x80xi32, #tpu.memory_space<vmem>> -> memref<80xi32, #tpu.memory_space<vmem>>
        %dma_start3A_50 = arith.constant 0 : i32
        %dma_start3A_51 = arith.constant 0 : i32
        %dma_start3A_52 = tpu.memref_slice %arg10[%dma_start3A_50, %dma_start3A_51] : memref<10000x128xf32, #tpu.memory_space<vmem_shared>> -> memref<10000x128xf32, #tpu.memory_space<vmem_shared>>
        tpu.enqueue_indirect_dma source(%arg9 : memref<80x128xf32, #tpu.memory_space<vmem>>) target(%dma_start3A_52 : memref<10000x128xf32, #tpu.memory_space<vmem_shared>>) offsets(%dma_start3A_49 : memref<80xi32, #tpu.memory_space<vmem>>) semaphore(%run_scoped3A : memref<!tpu.dma_semaphore, #tpu.memory_space<semaphore_mem>>) {add = true}
        %dma_wait3A_53 = arith.constant 0 : i32
        %dma_wait3A_54 = tpu.memref_slice %arg8[%scan3A_34, %dma_wait3A_53] : memref<125x80xi32, #tpu.memory_space<vmem>> -> memref<1x80xi32, #tpu.memory_space<vmem>>
        %dma_wait3A_55 = tpu.memref_squeeze %dma_wait3A_54 : memref<1x80xi32, #tpu.memory_space<vmem>> -> memref<80xi32, #tpu.memory_space<vmem>>
        %dma_wait3A_56 = arith.constant 0 : i32
        %dma_wait3A_57 = arith.constant 0 : i32
        %dma_wait3A_58 = tpu.memref_slice %arg10[%dma_wait3A_56, %dma_wait3A_57] : memref<10000x128xf32, #tpu.memory_space<vmem_shared>> -> memref<10000x128xf32, #tpu.memory_space<vmem_shared>>
        tpu.wait_indirect_dma semaphore(%run_scoped3A : memref<!tpu.dma_semaphore, #tpu.memory_space<semaphore_mem>>) src(%arg9 : memref<80x128xf32, #tpu.memory_space<vmem>>) dst(%dma_wait3A_58 : memref<10000x128xf32, #tpu.memory_space<vmem_shared>>)
        tpu.yield
      }) : () -> ()
      %scan3A_46 = arith.constant 0 : i32
      scf.yield %scan3A_46 : i32
    }
    %scan3A_27 = arith.constant 125 : i32
    "tpu.region"() ({
      %run_scoped3A = tpu.sem_alloc : memref<!tpu.dma_semaphore, #tpu.memory_space<semaphore_mem>>
      %dma_start3A = arith.constant 0 : i32
      %dma_start3A_34 = arith.constant 0 : i32
      %dma_start3A_35 = tpu.memref_slice %arg9[%dma_start3A, %dma_start3A_34] : memref<80x128xf32, #tpu.memory_space<vmem>> -> memref<8x128xf32, #tpu.memory_space<vmem>>
      %dma_start3A_36 = arith.constant 0 : i32
      %dma_start3A_37 = tpu.memref_slice %arg10[%mul3A_2, %dma_start3A_36] : memref<10000x128xf32, #tpu.memory_space<vmem_shared>> -> memref<8x128xf32, #tpu.memory_space<vmem_shared>>
      %dma_start3A_38 = arith.constant 0 : i32
      %dma_start3A_39 = arith.constant 0 : i32
      %dma_start3A_40 = tpu.memref_slice %arg9[%dma_start3A_38, %dma_start3A_39] : memref<80x128xf32, #tpu.memory_space<vmem>> -> memref<8x128xf32, #tpu.memory_space<vmem>>
      %dma_start3A_41 = arith.constant 0 : i32
      %dma_start3A_42 = tpu.memref_slice %arg10[%mul3A_2, %dma_start3A_41] : memref<10000x128xf32, #tpu.memory_space<vmem_shared>> -> memref<8x128xf32, #tpu.memory_space<vmem_shared>>
      tpu.enqueue_dma source(%dma_start3A_42 : memref<8x128xf32, #tpu.memory_space<vmem_shared>>) target(%dma_start3A_40 : memref<8x128xf32, #tpu.memory_space<vmem>>) target_semaphore(%run_scoped3A : memref<!tpu.dma_semaphore, #tpu.memory_space<semaphore_mem>>)
      %dma_wait3A = arith.constant 0 : i32
      %dma_wait3A_43 = arith.constant 0 : i32
      %dma_wait3A_44 = tpu.memref_slice %arg9[%dma_wait3A, %dma_wait3A_43] : memref<80x128xf32, #tpu.memory_space<vmem>> -> memref<8x128xf32, #tpu.memory_space<vmem>>
      %dma_wait3A_45 = arith.constant 0 : i32
      %dma_wait3A_46 = tpu.memref_slice %arg10[%mul3A_2, %dma_wait3A_45] : memref<10000x128xf32, #tpu.memory_space<vmem_shared>> -> memref<8x128xf32, #tpu.memory_space<vmem_shared>>
      %dma_wait3A_47 = arith.constant 0 : i32
      %dma_wait3A_48 = arith.constant 0 : i32
      %dma_wait3A_49 = tpu.memref_slice %arg9[%dma_wait3A_47, %dma_wait3A_48] : memref<80x128xf32, #tpu.memory_space<vmem>> -> memref<8x128xf32, #tpu.memory_space<vmem>>
      %dma_wait3A_50 = arith.constant 0 : i32
      %dma_wait3A_51 = tpu.memref_slice %arg10[%mul3A_2, %dma_wait3A_50] : memref<10000x128xf32, #tpu.memory_space<vmem_shared>> -> memref<8x128xf32, #tpu.memory_space<vmem_shared>>
      tpu.wait_dma2 semaphore(%run_scoped3A : memref<!tpu.dma_semaphore, #tpu.memory_space<semaphore_mem>>) src(%dma_wait3A_51 : memref<8x128xf32, #tpu.memory_space<vmem_shared>>) dst(%dma_wait3A_49 : memref<8x128xf32, #tpu.memory_space<vmem>>)
      tpu.yield
    }) : () -> ()
    %barrier3A_28 = arith.constant 0 : index
    tpu.barrier barrier_id(%barrier3A_28)
    "tpu.region"() ({
      %run_scoped3A = tpu.sem_alloc : memref<!tpu.dma_semaphore, #tpu.memory_space<semaphore_mem>>
      %dma_start3A = arith.constant 0 : i32
      %dma_start3A_34 = tpu.memref_slice %arg6[%arg0, %mul3A_2, %dma_start3A] : memref<2x10000x128xf32, #tpu.memory_space<hbm>> -> memref<1x624x128xf32, #tpu.memory_space<hbm>>
      %dma_start3A_35 = tpu.memref_squeeze %dma_start3A_34 : memref<1x624x128xf32, #tpu.memory_space<hbm>> -> memref<624x128xf32, #tpu.memory_space<hbm>>
      %dma_start3A_36 = arith.constant 0 : i32
      %dma_start3A_37 = tpu.memref_slice %arg10[%mul3A_2, %dma_start3A_36] : memref<10000x128xf32, #tpu.memory_space<vmem_shared>> -> memref<624x128xf32, #tpu.memory_space<vmem_shared>>
      tpu.enqueue_dma source(%dma_start3A_37 : memref<624x128xf32, #tpu.memory_space<vmem_shared>>) target(%dma_start3A_35 : memref<624x128xf32, #tpu.memory_space<hbm>>) target_semaphore(%run_scoped3A : memref<!tpu.dma_semaphore, #tpu.memory_space<semaphore_mem>>)
      %dma_wait3A = arith.constant 0 : i32
      %dma_wait3A_38 = tpu.memref_slice %arg6[%arg0, %mul3A_2, %dma_wait3A] : memref<2x10000x128xf32, #tpu.memory_space<hbm>> -> memref<1x624x128xf32, #tpu.memory_space<hbm>>
      %dma_wait3A_39 = tpu.memref_squeeze %dma_wait3A_38 : memref<1x624x128xf32, #tpu.memory_space<hbm>> -> memref<624x128xf32, #tpu.memory_space<hbm>>
      %dma_wait3A_40 = arith.constant 0 : i32
      %dma_wait3A_41 = tpu.memref_slice %arg10[%mul3A_2, %dma_wait3A_40] : memref<10000x128xf32, #tpu.memory_space<vmem_shared>> -> memref<624x128xf32, #tpu.memory_space<vmem_shared>>
      tpu.wait_dma2 semaphore(%run_scoped3A : memref<!tpu.dma_semaphore, #tpu.memory_space<semaphore_mem>>) src(%dma_wait3A_41 : memref<624x128xf32, #tpu.memory_space<vmem_shared>>) dst(%dma_wait3A_39 : memref<624x128xf32, #tpu.memory_space<hbm>>)
      tpu.yield
    }) : () -> ()
    %eq3A_29 = arith.constant 15 : i32
    %eq3A_30 = arith.cmpi eq, %arg1, %eq3A_29 : i32
    %convert_element_type3A_31 = arith.extui %eq3A_30 : i1 to i32
    %cond3A_32 = arith.constant 0 : i32
    %cond3A_33 = arith.cmpi ne, %convert_element_type3A_31, %cond3A_32 : i32
    scf.if %cond3A_33 {
      "tpu.region"() ({
        %run_scoped3A = tpu.sem_alloc : memref<!tpu.dma_semaphore, #tpu.memory_space<semaphore_mem>>
        %dma_start3A = arith.constant 9984 : i32
        %dma_start3A_34 = arith.constant 0 : i32
        %dma_start3A_35 = tpu.memref_slice %arg6[%arg0, %dma_start3A, %dma_start3A_34] : memref<2x10000x128xf32, #tpu.memory_space<hbm>> -> memref<1x16x128xf32, #tpu.memory_space<hbm>>
        %dma_start3A_36 = tpu.memref_squeeze %dma_start3A_35 : memref<1x16x128xf32, #tpu.memory_space<hbm>> -> memref<16x128xf32, #tpu.memory_space<hbm>>
        %dma_start3A_37 = arith.constant 9984 : i32
        %dma_start3A_38 = arith.constant 0 : i32
        %dma_start3A_39 = tpu.memref_slice %arg10[%dma_start3A_37, %dma_start3A_38] : memref<10000x128xf32, #tpu.memory_space<vmem_shared>> -> memref<16x128xf32, #tpu.memory_space<vmem_shared>>
        tpu.enqueue_dma source(%dma_start3A_39 : memref<16x128xf32, #tpu.memory_space<vmem_shared>>) target(%dma_start3A_36 : memref<16x128xf32, #tpu.memory_space<hbm>>) target_semaphore(%run_scoped3A : memref<!tpu.dma_semaphore, #tpu.memory_space<semaphore_mem>>)
        %dma_wait3A = arith.constant 9984 : i32
        %dma_wait3A_40 = arith.constant 0 : i32
        %dma_wait3A_41 = tpu.memref_slice %arg6[%arg0, %dma_wait3A, %dma_wait3A_40] : memref<2x10000x128xf32, #tpu.memory_space<hbm>> -> memref<1x16x128xf32, #tpu.memory_space<hbm>>
        %dma_wait3A_42 = tpu.memref_squeeze %dma_wait3A_41 : memref<1x16x128xf32, #tpu.memory_space<hbm>> -> memref<16x128xf32, #tpu.memory_space<hbm>>
        %dma_wait3A_43 = arith.constant 9984 : i32
        %dma_wait3A_44 = arith.constant 0 : i32
        %dma_wait3A_45 = tpu.memref_slice %arg10[%dma_wait3A_43, %dma_wait3A_44] : memref<10000x128xf32, #tpu.memory_space<vmem_shared>> -> memref<16x128xf32, #tpu.memory_space<vmem_shared>>
        tpu.wait_dma2 semaphore(%run_scoped3A : memref<!tpu.dma_semaphore, #tpu.memory_space<semaphore_mem>>) src(%dma_wait3A_45 : memref<16x128xf32, #tpu.memory_space<vmem_shared>>) dst(%dma_wait3A_42 : memref<16x128xf32, #tpu.memory_space<hbm>>)
        tpu.yield
      }) : () -> ()
    } else {
    }
    return
  }
}

module attributes {stable_mosaic.version = 14 : i64} {
  func.func @_k2_body(%arg0: i32, %arg1: memref<2x1000x16xf32, #tpu.memory_space<vmem>>, %arg2: memref<1000x128xf32, #tpu.memory_space<vmem>>, %arg3: memref<128x128xf32, #tpu.memory_space<vmem>>, %arg4: memref<1000x128xf32, #tpu.memory_space<vmem>>, %arg5: memref<1000x1xf32, #tpu.memory_space<vmem>>) attributes {dimension_semantics = [#tpu.dimension_semantics<arbitrary>], iteration_bounds = array<i64: 10>, scalar_prefetch = 0 : i64, scratch_operands = 0 : i64, tpu.core_type = #tpu.core_type<tc>, window_params = [{transform_indices = @transform_0, window_bounds = array<i64: 2, 1000, 16>}, {transform_indices = @transform_1, window_bounds = array<i64: 1000, 128>}, {pipeline_mode = #tpu.pipeline_mode<synchronous>, transform_indices = @transform_2, window_bounds = array<i64: 128, 128>}, {transform_indices = @transform_3, window_bounds = array<i64: 1000, 128>}, {transform_indices = @transform_4, window_bounds = array<i64: 1000, 1>}]} {
    %get3A = arith.constant 0 : index
    %get3A_0 = arith.constant 0 : index
    %get3A_1 = arith.constant 0 : index
    %get3A_2 = vector.load %arg1[%get3A, %get3A_0, %get3A_1] : memref<2x1000x16xf32, #tpu.memory_space<vmem>>, vector<1x1000x1xf32>
    %get3A_3 = vector.shape_cast %get3A_2 : vector<1x1000x1xf32> to vector<1000x1xf32>
    %get3A_4 = arith.constant 1 : index
    %get3A_5 = arith.constant 0 : index
    %get3A_6 = arith.constant 0 : index
    %get3A_7 = vector.load %arg1[%get3A_4, %get3A_5, %get3A_6] : memref<2x1000x16xf32, #tpu.memory_space<vmem>>, vector<1x1000x1xf32>
    %get3A_8 = vector.shape_cast %get3A_7 : vector<1x1000x1xf32> to vector<1000x1xf32>
    %add3A = arith.addf %get3A_3, %get3A_8 : vector<1000x1xf32>
    %add3A_9 = arith.constant 1.000000e+00 : f32
    %add3A_10 = vector.broadcast %add3A_9 : f32 to vector<1000x1xf32>
    %add3A_11 = arith.addf %add3A, %add3A_10 : vector<1000x1xf32>
    %rsqrt3A = math.rsqrt %add3A_11 : vector<1000x1xf32>
    %get3A_12 = arith.constant 0 : index
    %get3A_13 = arith.constant 0 : index
    %get3A_14 = vector.load %arg2[%get3A_12, %get3A_13] : memref<1000x128xf32, #tpu.memory_space<vmem>>, vector<1000x128xf32>
    %get3A_15 = arith.constant 0 : index
    %get3A_16 = arith.constant 0 : index
    %get3A_17 = vector.load %arg3[%get3A_15, %get3A_16] : memref<128x128xf32, #tpu.memory_space<vmem>>, vector<128x128xf32>
    %dot_general3A = arith.constant dense<0.000000e+00> : vector<1000x128xf32>
    %dot_general3A_18 = tpu.matmul %get3A_14, %get3A_17, %dot_general3A {dimension_numbers = #tpu.dot_dimension_numbers<[1], [0], [0], [1], [0, 0, 1, 1], [], []>, transpose_lhs_hint = false} : vector<1000x128xf32>, vector<128x128xf32>, vector<1000x128xf32> -> vector<1000x128xf32>
    %mul3A = vector.broadcast %rsqrt3A : vector<1000x1xf32> to vector<1000x128xf32>
    %mul3A_19 = arith.mulf %dot_general3A_18, %mul3A : vector<1000x128xf32>
    %swap3A = arith.constant 0 : index
    %swap3A_20 = arith.constant 0 : index
    %swap3A_21 = vector.load %arg4[%swap3A, %swap3A_20] : memref<1000x128xf32, #tpu.memory_space<vmem>>, vector<1000x128xf32>
    tpu.vector_store %arg4[%swap3A, %swap3A_20], %mul3A_19 {strides = array<i32>} : memref<1000x128xf32, #tpu.memory_space<vmem>>, vector<1000x128xf32>,
    %swap3A_22 = arith.constant 0 : index
    %swap3A_23 = arith.constant 0 : index
    %swap3A_24 = vector.load %arg5[%swap3A_22, %swap3A_23] : memref<1000x1xf32, #tpu.memory_space<vmem>>, vector<1000x1xf32>
    tpu.vector_store %arg5[%swap3A_22, %swap3A_23], %rsqrt3A {strides = array<i32>} : memref<1000x1xf32, #tpu.memory_space<vmem>>, vector<1000x1xf32>,
    return
  }
  func.func @transform_0(%arg0: i32) -> (i32, i32, i32) {
    %c0_i32 = arith.constant 0 : i32
    %c0_i32_0 = arith.constant 0 : i32
    %c0_i32_1 = arith.constant 0 : i32
    return %c0_i32, %arg0, %c0_i32_0 : i32, i32, i32
  }
  func.func @transform_1(%arg0: i32) -> (i32, i32) {
    %c0_i32 = arith.constant 0 : i32
    %c0_i32_0 = arith.constant 0 : i32
    return %arg0, %c0_i32 : i32, i32
  }
  func.func @transform_2(%arg0: i32) -> (i32, i32) {
    %c0_i32 = arith.constant 0 : i32
    %c0_i32_0 = arith.constant 0 : i32
    %c0_i32_1 = arith.constant 0 : i32
    return %c0_i32, %c0_i32_0 : i32, i32
  }
  func.func @transform_3(%arg0: i32) -> (i32, i32) {
    %c0_i32 = arith.constant 0 : i32
    %c0_i32_0 = arith.constant 0 : i32
    return %arg0, %c0_i32 : i32, i32
  }
  func.func @transform_4(%arg0: i32) -> (i32, i32) {
    %c0_i32 = arith.constant 0 : i32
    %c0_i32_0 = arith.constant 0 : i32
    return %arg0, %c0_i32 : i32, i32
  }
}

module attributes {stable_mosaic.version = 14 : i64} {
  func.func @_k4_body(%arg0: i32, %arg1: memref<2x1000x128xf32, #tpu.memory_space<vmem>>, %arg2: memref<1000x128xf32, #tpu.memory_space<vmem>>, %arg3: memref<1000x1xf32, #tpu.memory_space<vmem>>, %arg4: memref<1x128xf32, #tpu.memory_space<vmem>>, %arg5: memref<128x128xf32, #tpu.memory_space<vmem>>, %arg6: memref<1000x128xf32, #tpu.memory_space<vmem>>) attributes {dimension_semantics = [#tpu.dimension_semantics<arbitrary>], iteration_bounds = array<i64: 10>, scalar_prefetch = 0 : i64, scratch_operands = 0 : i64, tpu.core_type = #tpu.core_type<tc>, window_params = [{transform_indices = @transform_0, window_bounds = array<i64: 2, 1000, 128>}, {transform_indices = @transform_1, window_bounds = array<i64: 1000, 128>}, {transform_indices = @transform_2, window_bounds = array<i64: 1000, 1>}, {pipeline_mode = #tpu.pipeline_mode<synchronous>, transform_indices = @transform_3, window_bounds = array<i64: 1, 128>}, {pipeline_mode = #tpu.pipeline_mode<synchronous>, transform_indices = @transform_4, window_bounds = array<i64: 128, 128>}, {transform_indices = @transform_5, window_bounds = array<i64: 1000, 128>}]} {
    %get3A = arith.constant 0 : index
    %get3A_0 = arith.constant 0 : index
    %get3A_1 = arith.constant 0 : index
    %get3A_2 = vector.load %arg1[%get3A, %get3A_0, %get3A_1] : memref<2x1000x128xf32, #tpu.memory_space<vmem>>, vector<1x1000x128xf32>
    %get3A_3 = vector.shape_cast %get3A_2 : vector<1x1000x128xf32> to vector<1000x128xf32>
    %get3A_4 = arith.constant 1 : index
    %get3A_5 = arith.constant 0 : index
    %get3A_6 = arith.constant 0 : index
    %get3A_7 = vector.load %arg1[%get3A_4, %get3A_5, %get3A_6] : memref<2x1000x128xf32, #tpu.memory_space<vmem>>, vector<1x1000x128xf32>
    %get3A_8 = vector.shape_cast %get3A_7 : vector<1x1000x128xf32> to vector<1000x128xf32>
    %add3A = arith.addf %get3A_3, %get3A_8 : vector<1000x128xf32>
    %get3A_9 = arith.constant 0 : index
    %get3A_10 = arith.constant 0 : index
    %get3A_11 = vector.load %arg2[%get3A_9, %get3A_10] : memref<1000x128xf32, #tpu.memory_space<vmem>>, vector<1000x128xf32>
    %add3A_12 = arith.addf %add3A, %get3A_11 : vector<1000x128xf32>
    %get3A_13 = arith.constant 0 : index
    %get3A_14 = arith.constant 0 : index
    %get3A_15 = vector.load %arg3[%get3A_13, %get3A_14] : memref<1000x1xf32, #tpu.memory_space<vmem>>, vector<1000x1xf32>
    %mul3A = vector.broadcast %get3A_15 : vector<1000x1xf32> to vector<1000x128xf32>
    %mul3A_16 = arith.mulf %mul3A, %add3A_12 : vector<1000x128xf32>
    %get3A_17 = arith.constant 0 : index
    %get3A_18 = arith.constant 0 : index
    %get3A_19 = vector.load %arg4[%get3A_17, %get3A_18] : memref<1x128xf32, #tpu.memory_space<vmem>>, vector<1x128xf32>
    %add3A_20 = vector.broadcast %get3A_19 : vector<1x128xf32> to vector<1000x128xf32>
    %add3A_21 = arith.addf %mul3A_16, %add3A_20 : vector<1000x128xf32>
    %max3A = arith.constant 0.000000e+00 : f32
    %max3A_22 = vector.broadcast %max3A : f32 to vector<1000x128xf32>
    %max3A_23 = arith.maximumf %add3A_21, %max3A_22 : vector<1000x128xf32>
    %get3A_24 = arith.constant 0 : index
    %get3A_25 = arith.constant 0 : index
    %get3A_26 = vector.load %arg5[%get3A_24, %get3A_25] : memref<128x128xf32, #tpu.memory_space<vmem>>, vector<128x128xf32>
    %dot_general3A = arith.constant dense<0.000000e+00> : vector<1000x128xf32>
    %dot_general3A_27 = tpu.matmul %max3A_23, %get3A_26, %dot_general3A {dimension_numbers = #tpu.dot_dimension_numbers<[1], [0], [0], [1], [0, 0, 1, 1], [], []>, transpose_lhs_hint = false} : vector<1000x128xf32>, vector<128x128xf32>, vector<1000x128xf32> -> vector<1000x128xf32>
    %get3A_28 = arith.constant 0 : index
    %get3A_29 = arith.constant 0 : index
    %get3A_30 = vector.load %arg3[%get3A_28, %get3A_29] : memref<1000x1xf32, #tpu.memory_space<vmem>>, vector<1000x1xf32>
    %mul3A_31 = vector.broadcast %get3A_30 : vector<1000x1xf32> to vector<1000x128xf32>
    %mul3A_32 = arith.mulf %dot_general3A_27, %mul3A_31 : vector<1000x128xf32>
    %swap3A = arith.constant 0 : index
    %swap3A_33 = arith.constant 0 : index
    %swap3A_34 = vector.load %arg6[%swap3A, %swap3A_33] : memref<1000x128xf32, #tpu.memory_space<vmem>>, vector<1000x128xf32>
    tpu.vector_store %arg6[%swap3A, %swap3A_33], %mul3A_32 {strides = array<i32>} : memref<1000x128xf32, #tpu.memory_space<vmem>>, vector<1000x128xf32>,
    return
  }
  func.func @transform_0(%arg0: i32) -> (i32, i32, i32) {
    %c0_i32 = arith.constant 0 : i32
    %c0_i32_0 = arith.constant 0 : i32
    %c0_i32_1 = arith.constant 0 : i32
    return %c0_i32, %arg0, %c0_i32_0 : i32, i32, i32
  }
  func.func @transform_1(%arg0: i32) -> (i32, i32) {
    %c0_i32 = arith.constant 0 : i32
    %c0_i32_0 = arith.constant 0 : i32
    return %arg0, %c0_i32 : i32, i32
  }
  func.func @transform_2(%arg0: i32) -> (i32, i32) {
    %c0_i32 = arith.constant 0 : i32
    %c0_i32_0 = arith.constant 0 : i32
    return %arg0, %c0_i32 : i32, i32
  }
  func.func @transform_3(%arg0: i32) -> (i32, i32) {
    %c0_i32 = arith.constant 0 : i32
    %c0_i32_0 = arith.constant 0 : i32
    %c0_i32_1 = arith.constant 0 : i32
    return %c0_i32, %c0_i32_0 : i32, i32
  }
  func.func @transform_4(%arg0: i32) -> (i32, i32) {
    %c0_i32 = arith.constant 0 : i32
    %c0_i32_0 = arith.constant 0 : i32
    %c0_i32_1 = arith.constant 0 : i32
    return %c0_i32, %c0_i32_0 : i32, i32
  }
  func.func @transform_5(%arg0: i32) -> (i32, i32) {
    %c0_i32 = arith.constant 0 : i32
    %c0_i32_0 = arith.constant 0 : i32
    return %arg0, %c0_i32 : i32, i32
  }
}

module attributes {stable_mosaic.version = 14 : i64} {
  func.func @_k6_body(%arg0: i32, %arg1: memref<2x1000x128xf32, #tpu.memory_space<vmem>>, %arg2: memref<1000x128xf32, #tpu.memory_space<vmem>>, %arg3: memref<1000x1xf32, #tpu.memory_space<vmem>>, %arg4: memref<1x128xf32, #tpu.memory_space<vmem>>, %arg5: memref<1000x128xf32, #tpu.memory_space<vmem>>) attributes {dimension_semantics = [#tpu.dimension_semantics<arbitrary>], iteration_bounds = array<i64: 10>, scalar_prefetch = 0 : i64, scratch_operands = 0 : i64, tpu.core_type = #tpu.core_type<tc>, window_params = [{transform_indices = @transform_0, window_bounds = array<i64: 2, 1000, 128>}, {transform_indices = @transform_1, window_bounds = array<i64: 1000, 128>}, {transform_indices = @transform_2, window_bounds = array<i64: 1000, 1>}, {pipeline_mode = #tpu.pipeline_mode<synchronous>, transform_indices = @transform_3, window_bounds = array<i64: 1, 128>}, {transform_indices = @transform_4, window_bounds = array<i64: 1000, 128>}]} {
    %get3A = arith.constant 0 : index
    %get3A_0 = arith.constant 0 : index
    %get3A_1 = arith.constant 0 : index
    %get3A_2 = vector.load %arg1[%get3A, %get3A_0, %get3A_1] : memref<2x1000x128xf32, #tpu.memory_space<vmem>>, vector<1x1000x128xf32>
    %get3A_3 = vector.shape_cast %get3A_2 : vector<1x1000x128xf32> to vector<1000x128xf32>
    %get3A_4 = arith.constant 1 : index
    %get3A_5 = arith.constant 0 : index
    %get3A_6 = arith.constant 0 : index
    %get3A_7 = vector.load %arg1[%get3A_4, %get3A_5, %get3A_6] : memref<2x1000x128xf32, #tpu.memory_space<vmem>>, vector<1x1000x128xf32>
    %get3A_8 = vector.shape_cast %get3A_7 : vector<1x1000x128xf32> to vector<1000x128xf32>
    %add3A = arith.addf %get3A_3, %get3A_8 : vector<1000x128xf32>
    %get3A_9 = arith.constant 0 : index
    %get3A_10 = arith.constant 0 : index
    %get3A_11 = vector.load %arg2[%get3A_9, %get3A_10] : memref<1000x128xf32, #tpu.memory_space<vmem>>, vector<1000x128xf32>
    %add3A_12 = arith.addf %add3A, %get3A_11 : vector<1000x128xf32>
    %get3A_13 = arith.constant 0 : index
    %get3A_14 = arith.constant 0 : index
    %get3A_15 = vector.load %arg3[%get3A_13, %get3A_14] : memref<1000x1xf32, #tpu.memory_space<vmem>>, vector<1000x1xf32>
    %mul3A = vector.broadcast %get3A_15 : vector<1000x1xf32> to vector<1000x128xf32>
    %mul3A_16 = arith.mulf %mul3A, %add3A_12 : vector<1000x128xf32>
    %get3A_17 = arith.constant 0 : index
    %get3A_18 = arith.constant 0 : index
    %get3A_19 = vector.load %arg4[%get3A_17, %get3A_18] : memref<1x128xf32, #tpu.memory_space<vmem>>, vector<1x128xf32>
    %add3A_20 = vector.broadcast %get3A_19 : vector<1x128xf32> to vector<1000x128xf32>
    %add3A_21 = arith.addf %mul3A_16, %add3A_20 : vector<1000x128xf32>
    %max3A = arith.constant 0.000000e+00 : f32
    %max3A_22 = vector.broadcast %max3A : f32 to vector<1000x128xf32>
    %max3A_23 = arith.maximumf %add3A_21, %max3A_22 : vector<1000x128xf32>
    %swap3A = arith.constant 0 : index
    %swap3A_24 = arith.constant 0 : index
    %swap3A_25 = vector.load %arg5[%swap3A, %swap3A_24] : memref<1000x128xf32, #tpu.memory_space<vmem>>, vector<1000x128xf32>
    tpu.vector_store %arg5[%swap3A, %swap3A_24], %max3A_23 {strides = array<i32>} : memref<1000x128xf32, #tpu.memory_space<vmem>>, vector<1000x128xf32>,
    return
  }
  func.func @transform_0(%arg0: i32) -> (i32, i32, i32) {
    %c0_i32 = arith.constant 0 : i32
    %c0_i32_0 = arith.constant 0 : i32
    %c0_i32_1 = arith.constant 0 : i32
    return %c0_i32, %arg0, %c0_i32_0 : i32, i32, i32
  }
  func.func @transform_1(%arg0: i32) -> (i32, i32) {
    %c0_i32 = arith.constant 0 : i32
    %c0_i32_0 = arith.constant 0 : i32
    return %arg0, %c0_i32 : i32, i32
  }
  func.func @transform_2(%arg0: i32) -> (i32, i32) {
    %c0_i32 = arith.constant 0 : i32
    %c0_i32_0 = arith.constant 0 : i32
    return %arg0, %c0_i32 : i32, i32
  }
  func.func @transform_3(%arg0: i32) -> (i32, i32) {
    %c0_i32 = arith.constant 0 : i32
    %c0_i32_0 = arith.constant 0 : i32
    %c0_i32_1 = arith.constant 0 : i32
    return %c0_i32, %c0_i32_0 : i32, i32
  }
  func.func @transform_4(%arg0: i32) -> (i32, i32) {
    %c0_i32 = arith.constant 0 : i32
    %c0_i32_0 = arith.constant 0 : i32
    return %arg0, %c0_i32 : i32, i32
  }
}

</mosaic_0001>

<sc_bundles>
// kernel: kernel.11.cloned.1.call-start
scs
__scs_entry_jumppad:
0x0: {  	(pc) =	sbr.rel $0x88, $3  }
0x1: {  	(tag) =	ssettag $0x0;
	lr =	simm.s32 $0x1  }
0x2: {  	[smem:$0x3F9B] =	sst lr;
	_ =	strace $0xD0000000  }
0x3: {  	_ = 	snop  }
0x4: {  	_ = 	snop  }
0x5: {  	_ = 	snop  }
0x6: {  	_ = 	snop  }
0x7: {  	_ = 	snop  }
__scs_overlays_trampoline_lowered:
0x8: {  	[smem:$0x3FAA] =	sst s0  }
0x9: {  	[smem:$0x3FAB] =	sst s1  }
0xa: {  	[smem:$0x3FAC] =	sst s2  }
0xb: {  	[smem:$0x3FAD] =	sst s3  }
0xc: {  	[smem:$0x3FAE] =	sst s4  }
0xd: {  	[smem:$0x3FAF] =	sst s5  }
0xe: {  	[smem:$0x3FB0] =	sst s6  }
0xf: {  	[smem:$0x3FB1] =	sst s7  }
0x10: {  	[smem:$0x3FB2] =	sst s8  }
0x11: {  	[smem:$0x3FB3] =	sst s9;
	s0 =	simm.s32 @!p0 $0x0  }
0x12: {  	s1 =	sld [smem:$0x3F99];
	s0 =	simm.s32 @p0 $0x1  }
0x13: {  	[smem:$0x3FB4] =	sst s0;
	s0 =	simm.s32 @!p1 $0x0  }
0x14: {  	s2 =	sld [smem:$0x3F98];
	s0 =	simm.s32 @p1 $0x1  }
0x15: {  	[smem:$0x3FB5] =	sst s0;
	s0 =	simm.s32 @!p2 $0x0  }
0x16: {  	s3 =	sld [smem:$0x3FDB];
	s0 =	simm.s32 @p2 $0x1  }
0x17: {  	s4 =	simm.s32 $0x1BF5;
	[smem:$0x3FB7] =	sst s0  }
0x18: {  	s0 =	sld [smem:$0x3F9A];
	_ =	swait.ge [sflag:s4], $0x0  }
0x19: {  	s7 =	sld [smem:$0x3F9B]  }
0x1a: {  	s8 =	sadd.s32 $0xFFFFE003, lr  }
0x1b: {  	s9 =	sadd.s32 $0xFFFFFEF7, lr;
	s5 =	simm.s32 $0xFFFFFFFF;
	p2 =	slt.u32 s8, $0xFFFFF086  }
0x1c: {  	p1 =	slt.u32 s9, $0xF7A;
	s5 =	simm.s32 @!p2 $0x0  }
0x1d: {  	s5 =	simm.s32 @p1 $0x1;
	p0 =	seq.s32 s7, s2  }
0x1e: {  	s7 =	smul.u32 @!p0 $0xF7A, s2;
	p2 =	seq.s32 @!p0 s5, $0x0  }
0x1f: {  	s9 =	smul.u32 $0xF7A, s1;
	s8 =	simm.s32 @!p0 $0x1BF5;
	p2 =	por !p2, p0  }
0x20: {  	[sflag:s8] =	ssyncset.s32 @!p0 $0xFFFFF086;
	s6 =	sadd.s32 @!p0 s3, s7;
	s7 =	simm.s32 @!p0 $0x108  }
0x21: {  	s3 =	sadd.s32 s3, s9;
	s6 =	sadd.s32 @!p0 $0x88, s6;
	s7 =	simm.s32 @p2 $0x1082  }
0x22: {  	[simem:s7], [sflag:s8] =	dma.local @!p0 [hbm:s6], $0xF7A  }
0x23: {  	s9 =	sor.u32 $0xD0000000, s2;
	s6 =	simm.s32 $0x108;
	_ =	swait.ge @!p0 [sflag:s8], $0x0  }
0x24: {  	s3 =	sadd.s32 $0x88, s3;
	s6 =	simm.s32 @!p1 $0x1082;
	[sflag:s4] =	ssyncset.s32 $0xFFFFF086  }
0x25: {  	[simem:s6], [sflag:s4] =	dma.local [hbm:s3], $0xF7A  }
0x26: {  	[smem:$0x3F9B] =	sst s1;
	(tag) =	ssettag s2;
	_ =	strace s9  }
0x27: {  	s1 =	sld [smem:$0x3FAB]  }
0x28: {  	s2 =	sld [smem:$0x3FAC]  }
0x29: {  	s4 =	sld [smem:$0x3FAE]  }
0x2a: {  	p0 =	seq.s32 s5, $0x0;
	s5 =	sld [smem:$0x3FAF]  }
0x2b: {  	s6 =	sld [smem:$0x3FB0]  }
0x2c: {  	s7 =	sld [smem:$0x3FB1]  }
0x2d: {  	s3 =	simm.s32 $0x108;
	s8 =	sld [smem:$0x3FB2]  }
0x2e: {  	s3 =	simm.s32 @!p0 $0x1082;
	s9 =	sld [smem:$0x3FB3]  }
0x2f: {  	lr =	sadd.s32 s0, s3;
	s0 =	sld [smem:$0x3FAA]  }
0x30: {  	s3 =	sld [smem:$0x3FAD]  }
0x31: {  	[smem:$0x3FB6] =	sst s10  }
0x32: {  	s10 =	sld [smem:$0x3FB4];
	_ =	sdelay $0x3  }
0x33: {  	p0 =	seq.s32 s10, $0x1;
	s10 =	sld [smem:$0x3FB6];
	_ =	sdelay $0x3  }
0x34: {  	[smem:$0x3FB6] =	sst s10  }
0x35: {  	s10 =	sld [smem:$0x3FB5];
	_ =	sdelay $0x3  }
0x36: {  	p1 =	seq.s32 s10, $0x1;
	s10 =	sld [smem:$0x3FB6];
	_ =	sdelay $0x3  }
0x37: {  	[smem:$0x3FB6] =	sst s10  }
0x38: {  	s10 =	sld [smem:$0x3FB7]  }
0x39: {  	_ = 	snop;
	(pc) =	sbr.ind lr, $3  }
0x3a: {  	_ = 	snop  }
0x3b: {  	_ = 	snop  }
0x3c: {  	p2 =	seq.s32 s10, $0x1;
	s10 =	sld [smem:$0x3FB6]  }
0x3d: {  	_ =	shalt  }
0x3e: {  	_ =	shalt  }
0x3f: {  	_ =	shalt  }
0x40: {  	_ =	shalt  }
0x41: {  	_ =	shalt  }
0x42: {  	_ =	shalt  }
0x43: {  	_ =	shalt  }
0x44: {  	_ =	shalt  }
0x45: {  	_ =	shalt  }
0x46: {  	_ =	shalt  }
0x47: {  	_ =	shalt  }
0x48: {  	_ =	shalt  }
0x49: {  	_ =	shalt  }
0x4a: {  	_ =	shalt  }
0x4b: {  	_ =	shalt  }
0x4c: {  	_ =	shalt  }
0x4d: {  	_ =	shalt  }
0x4e: {  	_ =	shalt  }
0x4f: {  	_ =	shalt  }
0x50: {  	_ =	shalt  }
0x51: {  	_ =	shalt  }
0x52: {  	_ =	shalt  }
0x53: {  	_ =	shalt  }
0x54: {  	_ =	shalt  }
0x55: {  	_ =	shalt  }
0x56: {  	_ =	shalt  }
0x57: {  	_ =	shalt  }
0x58: {  	_ =	shalt  }
0x59: {  	_ =	shalt  }
0x5a: {  	_ =	shalt  }
0x5b: {  	_ =	shalt  }
0x5c: {  	_ =	shalt  }
0x5d: {  	_ =	shalt  }
0x5e: {  	_ =	shalt  }
0x5f: {  	_ =	shalt  }
0x60: {  	_ =	shalt  }
0x61: {  	_ =	shalt  }
0x62: {  	_ =	shalt  }
0x63: {  	_ =	shalt  }
0x64: {  	_ =	shalt  }
0x65: {  	_ =	shalt  }
0x66: {  	_ =	shalt  }
0x67: {  	_ =	shalt  }
0x68: {  	_ =	shalt  }
0x69: {  	_ =	shalt  }
0x6a: {  	_ =	shalt  }
0x6b: {  	_ =	shalt  }
0x6c: {  	_ =	shalt  }
0x6d: {  	_ =	shalt  }
0x6e: {  	_ =	shalt  }
0x6f: {  	_ =	shalt  }
0x70: {  	_ =	shalt  }
0x71: {  	_ =	shalt  }
0x72: {  	_ =	shalt  }
0x73: {  	_ =	shalt  }
0x74: {  	_ =	shalt  }
0x75: {  	_ =	shalt  }
0x76: {  	_ =	shalt  }
0x77: {  	_ =	shalt  }
0x78: {  	_ =	shalt  }
0x79: {  	_ =	shalt  }
0x7a: {  	_ =	shalt  }
0x7b: {  	_ =	shalt  }
0x7c: {  	_ =	shalt  }
0x7d: {  	_ =	shalt  }
0x7e: {  	_ =	shalt  }
0x7f: {  	_ =	shalt  }
0x80: {  	_ =	shalt  }
0x81: {  	_ =	shalt  }
0x82: {  	_ =	shalt  }
0x83: {  	_ =	shalt  }
0x84: {  	_ =	shalt  }
0x85: {  	_ =	shalt  }
0x86: {  	_ =	shalt  }
0x87: {  	_ =	shalt  }
.Lfunc_end0:
.L_simem_size_0:
called_computation.1_lowered:
.L_overlay_start_0:
0x88: {  	s2 =	sld [smem:$0x3FD9]  }
0x89: {  	s3 =	sld [smem:$0x3FFE];
	_ =	sdelay $0x1  }
0x8a: {  	s1 =	srdreg.scid  }
0x8b: {  	s0 =	sand.u32 $0x1, s1  }
0x8c: {  	s17 =	sshll.u32 s0, $0xA;
	s2 =	sadd.s32 s3, s2  }
0x8d: {  	s2 =	sadd.s32 s2, s17  }
0x8e: {  	[smem:$0x3FC2] =	sst s2  }
0x8f: {  	_ = 	snop  }
0x90: {  	s2 =	sld [smem:$0x3FD0];
	(tm) =	ssettm $0x1  }
0x91: {  	s18 =	sld [smem:$0x3FFB];
	_ =	sdelay $0x3  }
0x92: {  	_ =	strace s18  }
0x93: {  	s3 =	sld [smem:$0x3FFC];
	_ =	sdelay $0x3  }
0x94: {  	_ =	strace s3  }
0x95: {  	s3 =	sld [smem:$0x3FFD];
	_ =	sdelay $0x3  }
0x96: {  	_ =	strace s3  }
0x97: {  	_ =	strace $0x8FFFFFFF  }
0x98: {  	s19 =	sld [smem:$0x3FDB];
	_ =	sdelay $0x1  }
0x99: {  	s4 =	simm.s32 $_scs_section_size  }
0x9a: {  	s5 =	simm.s32 $_size__tile_overlayer_lowered;
	s6 =	simm.s32 $_tile_overlayer_lowered  }
0x9b: {  	s22 =	simm.s32 $0x1BFF;
	s21 =	sshll.u32 s6, $0x1;
	s3 =	sadd.s32 s4, s19  }
0x9c: {  	s7 =	simm.s32 $0x0;
	s20 =	sshll.u32 s5, $0x1;
	s5 =	sadd.s32 s21, s3  }
0x9d: {  	[timem:s7], [sflag:s22] =	dma.local [hbm:s5], s20  }
0x9e: {  	_ =	swait.ge [sflag:s22], s20  }
0x9f: {  	s4 =	ssub.s32 $0x0, s20;
	[sflag:s22] =	ssyncset.done $0x0  }
0xa0: {  	[sflag:s22] =	ssyncadd.s32 s4;
	_ =	sdelay $0x1  }
0xa1: {  	s23 =	simm.s32 $0x1B8B  }
0xa2: {  	_ =	swait.ge [sflag:s23], $0x1  }
0xa3: {  	[sflag:s23] =	ssyncset.done $0x0  }
0xa4: {  	s25 =	simm.s32 $0x1B8E;
	s24 =	sld [smem:$0x3FFE];
	[sflag:s23] =	ssyncadd.s32 $0xFFFFFFFF  }
0xa5: {  	s26 =	simm.s32 $execute0_lowered;
	[smem:$0x3FD2] =	sst s25  }
0xa6: {  	s5 =	sshll.u32 s26, $0x1;
	_ =	strace $0x80000049;
	[dreg:$0x1] =	wrdreg $0xFFFFFFFF  }
0xa7: {  	s28 =	simm.s32 $_size_execute0_lowered;
	s3 =	sadd.s32 s3, s5;
	[dreg:$0x0] =	wrdreg $0x0  }
0xa8: {  	s5 =	sshll.u32 s28, $0x1;
	[dreg:$0x2] =	wrdreg s3  }
0xa9: {  	[dreg:$0x3] =	wrdreg s5  }
0xaa: {  	[dreg:$0x4] =	wrdreg $0xC0  }
0xab: {  	_ =	task [dreg:s7], $0x5FFFF  }
0xac: {  	[dreg:$0x1] =	wrdreg $0xFFFFFFFF  }
0xad: {  	[dreg:$0x0] =	wrdreg $0x60  }
0xae: {  	[dreg:$0x2] =	wrdreg s24  }
0xaf: {  	[dreg:$0x3] =	wrdreg s2  }
0xb0: {  	[dreg:$0x4] =	wrdreg $0xA8000  }
0xb1: {  	[dreg:$0x5] =	wrdreg $0x9  }
0xb2: {  	_ =	task.clear_ibuf [dreg:s7], $0x6FFFF;
	_ =	strace $0x90000049  }
0xb3: {  	s29 =	simm.s32 $0x9;
	_ =	strace $0x8000004B  }
0xb4: {  	_ =	swait.ge [sflag:s29], $0x1  }
0xb5: {  	[sflag:s29] =	ssyncadd.s32 $0xFFFFFFFF  }
0xb6: {  	_ =	strace $0x9000004B  }
0xb7: {  	_ =	sfence  }
0xb8: {  	s30 =	sld [smem:$0x0];
	_ =	sdelay $0x2  }
0xb9: {  	s31 =	sshll.u32 s1, $0xD;
	s1 =	sshrl.u32 s1, $0x2  }
0xba: {  	s3 =	sand.u32 $0x4000, s31;
	s1 =	sadd.s32 s1, s30  }
0xbb: {  	s0 =	sor.u32 s3, s0;
	s1 =	sshll.u32 s1, $0x11  }
0xbc: {  	s0 =	sor.u32 s1, s0  }
0xbd: {  	s0 =	sadd.s32 $0x8F2B, s0  }
0xbe: {  	[sflag:s0] =	ssyncadd.remote.s32 $0x1  }
0xbf: {  	_ =	sfence.sel $0xFFFF  }
0xc0: {  	[dreg:$0x0] =	wrdreg $0xFFFFFFFF;
	(pc) =	sbr.abs _section_cstart, $3  }
0xc1: {  	[dreg:$0x1] =	wrdreg $0xFFFFFFFF  }
0xc2: {  	_ =	task.clear_ibuf [dreg:s7], $0x2FFFF;
	_ =	strace $0x9FFFFFFF  }
0xc3: {  	(tm) =	ssettm $0x7FFFFFFF  }
tec
execute0_lowered:
.L_overlay_start_1:
0x0: {  	(tag) =	ssettag $0x1  }
0x1: {  	s6 =	rddreg [dreg:$0x0]  }
0x2: {  	s2 =	rddreg [dreg:$0x1]  }
0x3: {  	s3 =	rddreg [dreg:$0x2];
	s4 =	srdreg.scid  }
0x4: {  	s0 =	rddreg [dreg:$0x3];
	s1 =	stileid.u32  }
0x5: {  	s22 =	simm.s32 $0x4000;
	s23 =	simm.s32 $0x50;
	s24 =	simm.s32 $0x1  }
0x6: {  	s25 =	simm.s32 $0x0;
	s8 =	sand.u32 $0x1, s4;
	s4 =	simm.s32 $0x0  }
0x7: {  	s5 =	sshll.u32 s1, $0xC;
	s31 =	smul.u32 $0x4E000, s1;
	s18 =	sadd.s32 $0x12C00, s6  }
0x8: {  	s15 =	smul.u32 $0x13800, s1;
	s14 =	sadd.s32 $0x138000, s3;
	p0 =	sne.s32 s1, $0xF  }
0x9: {  	s7 =	sshll.u32 s8, $0xB;
	[smem:$0x7FF] =	sst s4;
	s9 =	ssub.s32 $0x2, s8  }
0xa: {  	s17 =	smul.u32 $0x138800, s8;
	s5 =	sor.u32 s7, s5;
	_ =	strace $0x8000004A  }
0xb: {  	s7 =	sshrl.u32 s31, $0x2;
	s10 =	sshrl.u32 s9, $0x1;
	s16 =	sadd.s32 s5, s6  }
0xc: {  	s5 =	sadd.s32 $0x12600, s6;
	s6 =	sadd.s32 s7, s3;
	s19 =	ssub.s32 s9, s10  }
0xd: {  	s20 =	sadd.s32 s15, s17;
	s21 =	sshrl.u32 s17, $0x3;
	s7 =	sadd.s32 $0x2800, s6  }
0xe: {  	s8 =	sadd.s32 $0x5000, s6;
	s9 =	sadd.s32 $0x7800, s6;
	s10 =	sadd.s32 $0xA000, s6  }
0xf: {  	s11 =	sadd.s32 $0xC800, s6;
	s12 =	sadd.s32 $0xF000, s6;
	s13 =	sadd.s32 $0x11800, s6  }
0x10: {  	s15 =	sadd.s32 $0x60E00, s16;
	s20 =	sshrl.u32 s20, $0x3;
	s16 =	sadd.s32 $0x2600, s16  }
0x11: {  	s19 =	smax.u32 s19, $0x1;
	s17 =	sadd.s32 s18, s20;
	s18 =	sadd.s32 s18, s21  }
0x12: {  	s20 =	simm.s32 $0x8000;
	s21 =	simm.s32 $0x2;
	s18 =	sadd.s32 $0x27000, s18  }
.LBB2_1:
0x13: {  	[tilespmem:s20], [sflag:$0x2] =	stream.linear.gather [hbm4b:s5+s4], $0x2800, $0x38;
	[tilespmem:$0x1E080] =	vst v63  }
0x14: {  	_ =	swait.ge [sflag:s21], $0x2800  }
0x15: {  	[sflag:s21] =	ssyncset.done $0x0  }
0x16: {  	[sflag:s21] =	ssyncadd.s32 $0xFFFFD800  }
0x17: {  	[spmem:s6] =	stream.linear.scatter [tilespmem:s20], [sflag:$0x2], $0x2800, $0x38;
	[tilespmem:$0x1E080] =	vst v63  }
0x18: {  	_ =	swait.ge [sflag:s21], $0x2800  }
0x19: {  	[sflag:s21] =	ssyncset.done $0x0  }
0x1a: {  	[sflag:s21] =	ssyncadd.s32 $0xFFFFD800  }
0x1b: {  	[spmem:s7] =	stream.linear.scatter [tilespmem:s20], [sflag:$0x2], $0x2800, $0x38;
	[tilespmem:$0x1E080] =	vst v63  }
0x1c: {  	_ =	swait.ge [sflag:s21], $0x2800  }
0x1d: {  	[sflag:s21] =	ssyncset.done $0x0  }
0x1e: {  	[sflag:s21] =	ssyncadd.s32 $0xFFFFD800  }
0x1f: {  	[spmem:s8] =	stream.linear.scatter [tilespmem:s20], [sflag:$0x2], $0x2800, $0x38;
	[tilespmem:$0x1E080] =	vst v63  }
0x20: {  	_ =	swait.ge [sflag:s21], $0x2800  }
0x21: {  	[sflag:s21] =	ssyncset.done $0x0  }
0x22: {  	[sflag:s21] =	ssyncadd.s32 $0xFFFFD800  }
0x23: {  	[spmem:s9] =	stream.linear.scatter [tilespmem:s20], [sflag:$0x2], $0x2800, $0x38;
	[tilespmem:$0x1E080] =	vst v63  }
0x24: {  	_ =	swait.ge [sflag:s21], $0x2800  }
0x25: {  	[sflag:s21] =	ssyncset.done $0x0  }
0x26: {  	[sflag:s21] =	ssyncadd.s32 $0xFFFFD800  }
0x27: {  	[spmem:s10] =	stream.linear.scatter [tilespmem:s20], [sflag:$0x2], $0x2800, $0x38;
	[tilespmem:$0x1E080] =	vst v63  }
0x28: {  	_ =	swait.ge [sflag:s21], $0x2800  }
0x29: {  	[sflag:s21] =	ssyncset.done $0x0  }
0x2a: {  	[sflag:s21] =	ssyncadd.s32 $0xFFFFD800  }
0x2b: {  	[spmem:s11] =	stream.linear.scatter [tilespmem:s20], [sflag:$0x2], $0x2800, $0x38;
	[tilespmem:$0x1E080] =	vst v63  }
0x2c: {  	_ =	swait.ge [sflag:s21], $0x2800  }
0x2d: {  	[sflag:s21] =	ssyncset.done $0x0  }
0x2e: {  	[sflag:s21] =	ssyncadd.s32 $0xFFFFD800  }
0x2f: {  	[spmem:s12] =	stream.linear.scatter [tilespmem:s20], [sflag:$0x2], $0x2800, $0x38;
	[tilespmem:$0x1E080] =	vst v63  }
0x30: {  	_ =	swait.ge [sflag:s21], $0x2800  }
0x31: {  	[sflag:s21] =	ssyncset.done $0x0  }
0x32: {  	[sflag:s21] =	ssyncadd.s32 $0xFFFFD800  }
0x33: {  	[spmem:s13] =	stream.linear.scatter [tilespmem:s20], [sflag:$0x2], $0x2000, $0x38;
	[tilespmem:$0x1E080] =	vst v63  }
0x34: {  	_ =	swait.ge [sflag:s21], $0x2000  }
0x35: {  	[sflag:s21] =	ssyncset.done $0x0  }
0x36: {  	s26 =	simm.s32 @!p0 $0x8000;
	[sflag:s21] =	ssyncadd.s32 $0xFFFFE000  }
0x37: {  	[spmem:s14] =	stream.linear.scatter @!p0 [tilespmem:s26], [sflag:$0x2], $0x800, $0x38;
	[tilespmem:$0x1E080] =	vst v63  }
0x38: {  	s26 =	simm.s32 @!p0 $0x2  }
0x39: {  	_ =	swait.ge @!p0 [sflag:s26], $0x800  }
0x3a: {  	[sflag:s26] =	ssyncset.done @!p0 $0x0  }
0x3b: {  	[sflag:s26] =	ssyncadd.s32 @!p0 $0xFFFFF800  }
0x3c: {  	[tilespmem:s20], [sflag:$0x2] =	stream.linear.gather [spmem:s6], $0x400, $0x38;
	[tilespmem:$0x1E080] =	vst v63  }
0x3d: {  	_ =	swait.ge [sflag:s21], $0x400  }
0x3e: {  	[sflag:s21] =	ssyncset.done $0x0  }
0x3f: {  	[sflag:s21] =	ssyncadd.s32 $0xFFFFFC00  }
0x40: {  	[bflag:$0x0] =	sbarrier.arrive $0xFFFF  }
0x41: {  	[tilespmem:s4], [sflag:$0x2] =	stream.linear.gather [hbm4b:s15+s4], $0x3E80, $0x38;
	[tilespmem:$0x1E080] =	vst v63  }
0x42: {  	_ =	swait.ge [sflag:s21], $0x3E80  }
0x43: {  	[sflag:s21] =	ssyncset.done $0x0  }
0x44: {  	[sflag:s21] =	ssyncadd.s32 $0xFFFFC180  }
0x45: {  	[tilespmem:s22], [sflag:$0x2] =	stream.linear.gather [hbm4b:s16+s4], $0x3E80, $0x38;
	[tilespmem:$0x1E080] =	vst v63  }
0x46: {  	_ =	swait.ge [sflag:s21], $0x3E80  }
0x47: {  	[sflag:s21] =	ssyncset.done $0x0  }
0x48: {  	[sflag:s21] =	ssyncadd.s32 $0xFFFFC180  }
0x49: {  	s30 =	simm.s32 $0x0;
	[bflag:$0x0] =	sbarrier.arrive $0xFFFF  }
0x4a: {  	[tilespmem:s20], [sflag:$0x1] =	stream.indirect.gather [hbm4b:s2+s23], $0x80, s30, s23, $0xb8;
	[tilespmem:$0x1E080] =	vst v63  }
0x4b: {  	_ =	swait.ge [sflag:s24], $0x2800  }
0x4c: {  	[sflag:s24] =	ssyncset.done $0x0  }
0x4d: {  	s31 =	simm.s32 $0x4000;
	[sflag:s24] =	ssyncadd.s32 $0xFFFFD800  }
0x4e: {  	[spmem:s3] =	stream.indirect.scatter.add.f32 [tilespmem:s20], [sflag:$0x2], $0x80, s31, s23, $0xb8;
	[tilespmem:$0x1E080] =	vst v63  }
0x4f: {  	_ =	swait.ge [sflag:s21], $0x2800  }
0x50: {  	s28 =	simm.s32 $0x400;
	s26 =	simm.s32 $0x200;
	[sflag:s21] =	ssyncset.done $0x0  }
.LBB2_2:
0x51: {  	s29 =	sshra.s32 s26, $0x2  }
0x52: {  	[sflag:s21] =	ssyncadd.s32 $0xFFFFD800;
	s26 =	smov.u32 s28;
	s30 =	sadd.s32 $0x200, s28  }
0x53: {  	[tilespmem:s20], [sflag:$0x1] =	stream.indirect.gather [hbm4b:s2+s23], $0x80, s29, s23, $0xb8;
	[tilespmem:$0x1E080] =	vst v63  }
0x54: {  	p1 =	sne.s32 s28, $0xF800;
	_ =	swait.ge [sflag:s24], $0x2800  }
.Ltmp0:
0x55: {  	[sflag:s24] =	ssyncset.done $0x0;
	(pc) =	sbr.rel @p1 .LBB2_2-.Ltmp0, $4  }
0x56: {  	s28 =	sadd.s32 $0x4000, s29;
	[sflag:s24] =	ssyncadd.s32 $0xFFFFD800  }
0x57: {  	[spmem:s3] =	stream.indirect.scatter.add.f32 [tilespmem:s20], [sflag:$0x2], $0x80, s28, s23, $0xb8;
	[tilespmem:$0x1E080] =	vst v63  }
0x58: {  	_ =	swait.ge [sflag:s21], $0x2800  }
0x59: {  	s28 =	smov.u32 s30;
	[sflag:s21] =	ssyncset.done $0x0  }
0x5a: {  	s26 =	sshra.s32 s26, $0x2;
	[sflag:s21] =	ssyncadd.s32 $0xFFFFD800  }
0x5b: {  	[tilespmem:s20], [sflag:$0x1] =	stream.indirect.gather [hbm4b:s2+s23], $0x80, s26, s23, $0xb8;
	[tilespmem:$0x1E080] =	vst v63  }
0x5c: {  	_ =	swait.ge [sflag:s24], $0x2800  }
0x5d: {  	[sflag:s24] =	ssyncset.done $0x0  }
0x5e: {  	s26 =	sadd.s32 $0x4000, s26;
	[sflag:s24] =	ssyncadd.s32 $0xFFFFD800  }
0x5f: {  	[spmem:s3] =	stream.indirect.scatter.add.f32 [tilespmem:s20], [sflag:$0x2], $0x80, s26, s23, $0xb8;
	[tilespmem:$0x1E080] =	vst v63  }
0x60: {  	_ =	swait.ge [sflag:s21], $0x2800  }
0x61: {  	[sflag:s21] =	ssyncset.done $0x0  }
0x62: {  	[sflag:s21] =	ssyncadd.s32 $0xFFFFD800  }
0x63: {  	[tilespmem:s20], [sflag:$0x2] =	stream.linear.gather [spmem:s6], $0x400, $0x38;
	[tilespmem:$0x1E080] =	vst v63  }
0x64: {  	_ =	swait.ge [sflag:s21], $0x400  }
0x65: {  	[sflag:s21] =	ssyncset.done $0x0  }
0x66: {  	s31 =	sshll.u32 s1, $0x6;
	[sflag:s21] =	ssyncadd.s32 $0xFFFFFC00  }
0x67: {  	s28 =	sshrl.u32 s6, $0x3;
	s26 =	sor.u32 $0x1C02, s31;
	[bflag:$0x0] =	sbarrier.arrive $0xFFFF  }
0x68: {  	[hbm:s17], [sflag:s26] =	dma.local [spmem:s28], $0x2700  }
0x69: {  	_ =	swait.ge [sflag:s21], $0x2700  }
0x6a: {  	s25 =	sadd.s32 $0x1, s25;
	[sflag:s21] =	ssyncset.done $0x0  }
0x6b: {  	p1 =	sne.s32 s25, s19;
	s28 =	sshrl.u32 @!p0 s14, $0x3;
	[sflag:s21] =	ssyncadd.s32 $0xFFFFD900  }
0x6c: {  	[hbm:s18], [sflag:s26] =	dma.local @!p0 [spmem:s28], $0x100  }
.Ltmp1:
0x6d: {  	_ = 	snop;
	(pc) =	sbr.rel @p1 .LBB2_1-.Ltmp1, $4  }
0x6e: {  	s26 =	simm.s32 @!p0 $0x2  }
0x6f: {  	_ =	swait.ge @!p0 [sflag:s26], $0x100  }
0x70: {  	[sflag:s26] =	ssyncset.done @!p0 $0x0  }
0x71: {  	[sflag:s26] =	ssyncadd.s32 @!p0 $0xFFFFFF00  }
0x72: {  	_ =	sfence.sel $0x180000  }
0x73: {  	[bflag:$0x0] =	sbarrier.arrive $0xFFFF  }
0x74: {  	p0 =	sne.s32 s1, $0x0;
	_ =	strace $0x9000004A  }
0x75: {  	s0 =	sadd.s32 @!p0 $0x100000, s0;
	[bflag:$0x2] =	sbarrier.arrive $0xFFFF  }
0x76: {  	[sflag:s0] =	ssyncadd.tile.s32 @!p0 $0x1;
	_ =	shalt  }
.Lfunc_end2:
_tile_overlayer_lowered:
.L_overlay_start_2:
0x77: {  	(tag) =	ssettag $0x2  }
0x78: {  	s0 =	rddreg [dreg:$0x0];
	s2 =	stileid.u32  }
0x79: {  	s1 =	rddreg [dreg:$0x1];
	p0 =	sne.s32 s2, $0x0  }
0x7a: {  	s3 =	rddreg [dreg:$0x2];
	[bflag:$0x3] =	sbarrier.arrive $0xFFFF;
	s2 =	simm.s32 @!p0 $0x1C02  }
0x7b: {  	[timem:s3], [sflag:s2] =	dma.local @!p0 [hbm:s0], s1  }
0x7c: {  	s0 =	simm.s32 @!p0 $0x2  }
0x7d: {  	_ =	swait.ge @!p0 [sflag:s0], s1  }
0x7e: {  	s1 =	ssub.s32 @!p0 $0x0, s1;
	[sflag:s0] =	ssyncset.done @!p0 $0x0  }
0x7f: {  	[sflag:s0] =	ssyncadd.s32 @!p0 s1  }
0x80: {  	[bflag:$0x3] =	sbarrier.arrive $0xFFFF  }
0x81: {  	_ =	shalt  }

// kernel: kernel.14.cloned.1.call-start
scs
__scs_entry_jumppad:
0x0: {  	(pc) =	sbr.rel $0x88, $3  }
0x1: {  	(tag) =	ssettag $0x0;
	lr =	simm.s32 $0x1  }
0x2: {  	[smem:$0x3F9B] =	sst lr;
	_ =	strace $0xD0000000  }
0x3: {  	_ = 	snop  }
0x4: {  	_ = 	snop  }
0x5: {  	_ = 	snop  }
0x6: {  	_ = 	snop  }
0x7: {  	_ = 	snop  }
__scs_overlays_trampoline_lowered:
0x8: {  	[smem:$0x3FAA] =	sst s0  }
0x9: {  	[smem:$0x3FAB] =	sst s1  }
0xa: {  	[smem:$0x3FAC] =	sst s2  }
0xb: {  	[smem:$0x3FAD] =	sst s3  }
0xc: {  	[smem:$0x3FAE] =	sst s4  }
0xd: {  	[smem:$0x3FAF] =	sst s5  }
0xe: {  	[smem:$0x3FB0] =	sst s6  }
0xf: {  	[smem:$0x3FB1] =	sst s7  }
0x10: {  	[smem:$0x3FB2] =	sst s8  }
0x11: {  	[smem:$0x3FB3] =	sst s9;
	s0 =	simm.s32 @!p0 $0x0  }
0x12: {  	s1 =	sld [smem:$0x3F99];
	s0 =	simm.s32 @p0 $0x1  }
0x13: {  	[smem:$0x3FB4] =	sst s0;
	s0 =	simm.s32 @!p1 $0x0  }
0x14: {  	s2 =	sld [smem:$0x3F98];
	s0 =	simm.s32 @p1 $0x1  }
0x15: {  	[smem:$0x3FB5] =	sst s0;
	s0 =	simm.s32 @!p2 $0x0  }
0x16: {  	s3 =	sld [smem:$0x3FDB];
	s0 =	simm.s32 @p2 $0x1  }
0x17: {  	s4 =	simm.s32 $0x1BF5;
	[smem:$0x3FB7] =	sst s0  }
0x18: {  	s0 =	sld [smem:$0x3F9A];
	_ =	swait.ge [sflag:s4], $0x0  }
0x19: {  	s7 =	sld [smem:$0x3F9B]  }
0x1a: {  	s8 =	sadd.s32 $0xFFFFE003, lr  }
0x1b: {  	s9 =	sadd.s32 $0xFFFFFEF7, lr;
	s5 =	simm.s32 $0xFFFFFFFF;
	p2 =	slt.u32 s8, $0xFFFFF086  }
0x1c: {  	p1 =	slt.u32 s9, $0xF7A;
	s5 =	simm.s32 @!p2 $0x0  }
0x1d: {  	s5 =	simm.s32 @p1 $0x1;
	p0 =	seq.s32 s7, s2  }
0x1e: {  	s7 =	smul.u32 @!p0 $0xF7A, s2;
	p2 =	seq.s32 @!p0 s5, $0x0  }
0x1f: {  	s9 =	smul.u32 $0xF7A, s1;
	s8 =	simm.s32 @!p0 $0x1BF5;
	p2 =	por !p2, p0  }
0x20: {  	[sflag:s8] =	ssyncset.s32 @!p0 $0xFFFFF086;
	s6 =	sadd.s32 @!p0 s3, s7;
	s7 =	simm.s32 @!p0 $0x108  }
0x21: {  	s3 =	sadd.s32 s3, s9;
	s6 =	sadd.s32 @!p0 $0x88, s6;
	s7 =	simm.s32 @p2 $0x1082  }
0x22: {  	[simem:s7], [sflag:s8] =	dma.local @!p0 [hbm:s6], $0xF7A  }
0x23: {  	s9 =	sor.u32 $0xD0000000, s2;
	s6 =	simm.s32 $0x108;
	_ =	swait.ge @!p0 [sflag:s8], $0x0  }
0x24: {  	s3 =	sadd.s32 $0x88, s3;
	s6 =	simm.s32 @!p1 $0x1082;
	[sflag:s4] =	ssyncset.s32 $0xFFFFF086  }
0x25: {  	[simem:s6], [sflag:s4] =	dma.local [hbm:s3], $0xF7A  }
0x26: {  	[smem:$0x3F9B] =	sst s1;
	(tag) =	ssettag s2;
	_ =	strace s9  }
0x27: {  	s1 =	sld [smem:$0x3FAB]  }
0x28: {  	s2 =	sld [smem:$0x3FAC]  }
0x29: {  	s4 =	sld [smem:$0x3FAE]  }
0x2a: {  	p0 =	seq.s32 s5, $0x0;
	s5 =	sld [smem:$0x3FAF]  }
0x2b: {  	s6 =	sld [smem:$0x3FB0]  }
0x2c: {  	s7 =	sld [smem:$0x3FB1]  }
0x2d: {  	s3 =	simm.s32 $0x108;
	s8 =	sld [smem:$0x3FB2]  }
0x2e: {  	s3 =	simm.s32 @!p0 $0x1082;
	s9 =	sld [smem:$0x3FB3]  }
0x2f: {  	lr =	sadd.s32 s0, s3;
	s0 =	sld [smem:$0x3FAA]  }
0x30: {  	s3 =	sld [smem:$0x3FAD]  }
0x31: {  	[smem:$0x3FB6] =	sst s10  }
0x32: {  	s10 =	sld [smem:$0x3FB4];
	_ =	sdelay $0x3  }
0x33: {  	p0 =	seq.s32 s10, $0x1;
	s10 =	sld [smem:$0x3FB6];
	_ =	sdelay $0x3  }
0x34: {  	[smem:$0x3FB6] =	sst s10  }
0x35: {  	s10 =	sld [smem:$0x3FB5];
	_ =	sdelay $0x3  }
0x36: {  	p1 =	seq.s32 s10, $0x1;
	s10 =	sld [smem:$0x3FB6];
	_ =	sdelay $0x3  }
0x37: {  	[smem:$0x3FB6] =	sst s10  }
0x38: {  	s10 =	sld [smem:$0x3FB7]  }
0x39: {  	_ = 	snop;
	(pc) =	sbr.ind lr, $3  }
0x3a: {  	_ = 	snop  }
0x3b: {  	_ = 	snop  }
0x3c: {  	p2 =	seq.s32 s10, $0x1;
	s10 =	sld [smem:$0x3FB6]  }
0x3d: {  	_ =	shalt  }
0x3e: {  	_ =	shalt  }
0x3f: {  	_ =	shalt  }
0x40: {  	_ =	shalt  }
0x41: {  	_ =	shalt  }
0x42: {  	_ =	shalt  }
0x43: {  	_ =	shalt  }
0x44: {  	_ =	shalt  }
0x45: {  	_ =	shalt  }
0x46: {  	_ =	shalt  }
0x47: {  	_ =	shalt  }
0x48: {  	_ =	shalt  }
0x49: {  	_ =	shalt  }
0x4a: {  	_ =	shalt  }
0x4b: {  	_ =	shalt  }
0x4c: {  	_ =	shalt  }
0x4d: {  	_ =	shalt  }
0x4e: {  	_ =	shalt  }
0x4f: {  	_ =	shalt  }
0x50: {  	_ =	shalt  }
0x51: {  	_ =	shalt  }
0x52: {  	_ =	shalt  }
0x53: {  	_ =	shalt  }
0x54: {  	_ =	shalt  }
0x55: {  	_ =	shalt  }
0x56: {  	_ =	shalt  }
0x57: {  	_ =	shalt  }
0x58: {  	_ =	shalt  }
0x59: {  	_ =	shalt  }
0x5a: {  	_ =	shalt  }
0x5b: {  	_ =	shalt  }
0x5c: {  	_ =	shalt  }
0x5d: {  	_ =	shalt  }
0x5e: {  	_ =	shalt  }
0x5f: {  	_ =	shalt  }
0x60: {  	_ =	shalt  }
0x61: {  	_ =	shalt  }
0x62: {  	_ =	shalt  }
0x63: {  	_ =	shalt  }
0x64: {  	_ =	shalt  }
0x65: {  	_ =	shalt  }
0x66: {  	_ =	shalt  }
0x67: {  	_ =	shalt  }
0x68: {  	_ =	shalt  }
0x69: {  	_ =	shalt  }
0x6a: {  	_ =	shalt  }
0x6b: {  	_ =	shalt  }
0x6c: {  	_ =	shalt  }
0x6d: {  	_ =	shalt  }
0x6e: {  	_ =	shalt  }
0x6f: {  	_ =	shalt  }
0x70: {  	_ =	shalt  }
0x71: {  	_ =	shalt  }
0x72: {  	_ =	shalt  }
0x73: {  	_ =	shalt  }
0x74: {  	_ =	shalt  }
0x75: {  	_ =	shalt  }
0x76: {  	_ =	shalt  }
0x77: {  	_ =	shalt  }
0x78: {  	_ =	shalt  }
0x79: {  	_ =	shalt  }
0x7a: {  	_ =	shalt  }
0x7b: {  	_ =	shalt  }
0x7c: {  	_ =	shalt  }
0x7d: {  	_ =	shalt  }
0x7e: {  	_ =	shalt  }
0x7f: {  	_ =	shalt  }
0x80: {  	_ =	shalt  }
0x81: {  	_ =	shalt  }
0x82: {  	_ =	shalt  }
0x83: {  	_ =	shalt  }
0x84: {  	_ =	shalt  }
0x85: {  	_ =	shalt  }
0x86: {  	_ =	shalt  }
0x87: {  	_ =	shalt  }
.Lfunc_end0:
.L_simem_size_0:
called_computation.2_lowered:
.L_overlay_start_0:
0x88: {  	s2 =	sld [smem:$0x3FD9]  }
0x89: {  	s3 =	sld [smem:$0x3FFE];
	_ =	sdelay $0x1  }
0x8a: {  	s1 =	srdreg.scid  }
0x8b: {  	s0 =	sand.u32 $0x1, s1  }
0x8c: {  	s17 =	sshll.u32 s0, $0xA;
	s2 =	sadd.s32 s3, s2  }
0x8d: {  	s2 =	sadd.s32 s2, s17  }
0x8e: {  	[smem:$0x3FC2] =	sst s2  }
0x8f: {  	_ = 	snop  }
0x90: {  	s2 =	sld [smem:$0x3FD0];
	(tm) =	ssettm $0x1  }
0x91: {  	s18 =	sld [smem:$0x3FFB];
	_ =	sdelay $0x3  }
0x92: {  	_ =	strace s18  }
0x93: {  	s3 =	sld [smem:$0x3FFC];
	_ =	sdelay $0x3  }
0x94: {  	_ =	strace s3  }
0x95: {  	s3 =	sld [smem:$0x3FFD];
	_ =	sdelay $0x3  }
0x96: {  	_ =	strace s3  }
0x97: {  	_ =	strace $0x8FFFFFFF  }
0x98: {  	s19 =	sld [smem:$0x3FDB];
	_ =	sdelay $0x1  }
0x99: {  	s4 =	simm.s32 $_scs_section_size  }
0x9a: {  	s5 =	simm.s32 $_size__tile_overlayer_lowered;
	s6 =	simm.s32 $_tile_overlayer_lowered  }
0x9b: {  	s22 =	simm.s32 $0x1BFF;
	s21 =	sshll.u32 s6, $0x1;
	s3 =	sadd.s32 s4, s19  }
0x9c: {  	s7 =	simm.s32 $0x0;
	s20 =	sshll.u32 s5, $0x1;
	s5 =	sadd.s32 s21, s3  }
0x9d: {  	[timem:s7], [sflag:s22] =	dma.local [hbm:s5], s20  }
0x9e: {  	_ =	swait.ge [sflag:s22], s20  }
0x9f: {  	s4 =	ssub.s32 $0x0, s20;
	[sflag:s22] =	ssyncset.done $0x0  }
0xa0: {  	[sflag:s22] =	ssyncadd.s32 s4;
	_ =	sdelay $0x1  }
0xa1: {  	s23 =	simm.s32 $0x1B8B  }
0xa2: {  	_ =	swait.ge [sflag:s23], $0x1  }
0xa3: {  	[sflag:s23] =	ssyncset.done $0x0  }
0xa4: {  	s25 =	simm.s32 $0x1B8E;
	s24 =	sld [smem:$0x3FFE];
	[sflag:s23] =	ssyncadd.s32 $0xFFFFFFFF  }
0xa5: {  	s26 =	simm.s32 $execute0_lowered;
	[smem:$0x3FD2] =	sst s25  }
0xa6: {  	s5 =	sshll.u32 s26, $0x1;
	_ =	strace $0x8000004C;
	[dreg:$0x1] =	wrdreg $0xFFFFFFFF  }
0xa7: {  	s28 =	simm.s32 $_size_execute0_lowered;
	s3 =	sadd.s32 s3, s5;
	[dreg:$0x0] =	wrdreg $0x0  }
0xa8: {  	s5 =	sshll.u32 s28, $0x1;
	[dreg:$0x2] =	wrdreg s3  }
0xa9: {  	[dreg:$0x3] =	wrdreg s5  }
0xaa: {  	[dreg:$0x4] =	wrdreg $0xC0  }
0xab: {  	_ =	task [dreg:s7], $0x5FFFF  }
0xac: {  	[dreg:$0x1] =	wrdreg $0xFFFFFFFF  }
0xad: {  	[dreg:$0x0] =	wrdreg $0x60  }
0xae: {  	[dreg:$0x2] =	wrdreg s24  }
0xaf: {  	[dreg:$0x3] =	wrdreg s2  }
0xb0: {  	[dreg:$0x4] =	wrdreg $0xA8000  }
0xb1: {  	[dreg:$0x5] =	wrdreg $0x9  }
0xb2: {  	_ =	task.clear_ibuf [dreg:s7], $0x6FFFF;
	_ =	strace $0x9000004C  }
0xb3: {  	s29 =	simm.s32 $0x9;
	_ =	strace $0x8000004E  }
0xb4: {  	_ =	swait.ge [sflag:s29], $0x1  }
0xb5: {  	[sflag:s29] =	ssyncadd.s32 $0xFFFFFFFF  }
0xb6: {  	_ =	strace $0x9000004E  }
0xb7: {  	_ =	sfence  }
0xb8: {  	s30 =	sld [smem:$0x0];
	_ =	sdelay $0x2  }
0xb9: {  	s31 =	sshll.u32 s1, $0xD;
	s1 =	sshrl.u32 s1, $0x2  }
0xba: {  	s3 =	sand.u32 $0x4000, s31;
	s1 =	sadd.s32 s1, s30  }
0xbb: {  	s0 =	sor.u32 s3, s0;
	s1 =	sshll.u32 s1, $0x11  }
0xbc: {  	s0 =	sor.u32 s1, s0  }
0xbd: {  	s0 =	sadd.s32 $0x8F2B, s0  }
0xbe: {  	[sflag:s0] =	ssyncadd.remote.s32 $0x1  }
0xbf: {  	_ =	sfence.sel $0xFFFF  }
0xc0: {  	[dreg:$0x0] =	wrdreg $0xFFFFFFFF;
	(pc) =	sbr.abs _section_cstart, $3  }
0xc1: {  	[dreg:$0x1] =	wrdreg $0xFFFFFFFF  }
0xc2: {  	_ =	task.clear_ibuf [dreg:s7], $0x2FFFF;
	_ =	strace $0x9FFFFFFF  }
0xc3: {  	(tm) =	ssettm $0x7FFFFFFF  }
tec
execute0_lowered:
.L_overlay_start_1:
0x0: {  	(tag) =	ssettag $0x1  }
0x1: {  	s6 =	rddreg [dreg:$0x0]  }
0x2: {  	s2 =	rddreg [dreg:$0x1]  }
0x3: {  	s3 =	rddreg [dreg:$0x2];
	s4 =	srdreg.scid  }
0x4: {  	s0 =	rddreg [dreg:$0x3];
	s1 =	stileid.u32  }
0x5: {  	s22 =	simm.s32 $0x4000;
	s23 =	simm.s32 $0x50;
	s24 =	simm.s32 $0x1  }
0x6: {  	s25 =	simm.s32 $0x0;
	s8 =	sand.u32 $0x1, s4;
	s4 =	simm.s32 $0x0  }
0x7: {  	s5 =	sshll.u32 s1, $0xC;
	s31 =	smul.u32 $0x4E000, s1;
	s18 =	sadd.s32 $0x12C00, s6  }
0x8: {  	s15 =	smul.u32 $0x13800, s1;
	s14 =	sadd.s32 $0x138000, s3;
	p0 =	sne.s32 s1, $0xF  }
0x9: {  	s7 =	sshll.u32 s8, $0xB;
	[smem:$0x7FF] =	sst s4;
	s9 =	ssub.s32 $0x2, s8  }
0xa: {  	s17 =	smul.u32 $0x138800, s8;
	s5 =	sor.u32 s7, s5;
	_ =	strace $0x8000004D  }
0xb: {  	s7 =	sshrl.u32 s31, $0x2;
	s10 =	sshrl.u32 s9, $0x1;
	s16 =	sadd.s32 s5, s6  }
0xc: {  	s5 =	sadd.s32 $0x12600, s6;
	s6 =	sadd.s32 s7, s3;
	s19 =	ssub.s32 s9, s10  }
0xd: {  	s20 =	sadd.s32 s15, s17;
	s21 =	sshrl.u32 s17, $0x3;
	s7 =	sadd.s32 $0x2800, s6  }
0xe: {  	s8 =	sadd.s32 $0x5000, s6;
	s9 =	sadd.s32 $0x7800, s6;
	s10 =	sadd.s32 $0xA000, s6  }
0xf: {  	s11 =	sadd.s32 $0xC800, s6;
	s12 =	sadd.s32 $0xF000, s6;
	s13 =	sadd.s32 $0x11800, s6  }
0x10: {  	s15 =	sadd.s32 $0x60E00, s16;
	s20 =	sshrl.u32 s20, $0x3;
	s16 =	sadd.s32 $0x2600, s16  }
0x11: {  	s19 =	smax.u32 s19, $0x1;
	s17 =	sadd.s32 s18, s20;
	s18 =	sadd.s32 s18, s21  }
0x12: {  	s20 =	simm.s32 $0x8000;
	s21 =	simm.s32 $0x2;
	s18 =	sadd.s32 $0x27000, s18  }
.LBB2_1:
0x13: {  	[tilespmem:s20], [sflag:$0x2] =	stream.linear.gather [hbm4b:s5+s4], $0x2800, $0x38;
	[tilespmem:$0x1E080] =	vst v63  }
0x14: {  	_ =	swait.ge [sflag:s21], $0x2800  }
0x15: {  	[sflag:s21] =	ssyncset.done $0x0  }
0x16: {  	[sflag:s21] =	ssyncadd.s32 $0xFFFFD800  }
0x17: {  	[spmem:s6] =	stream.linear.scatter [tilespmem:s20], [sflag:$0x2], $0x2800, $0x38;
	[tilespmem:$0x1E080] =	vst v63  }
0x18: {  	_ =	swait.ge [sflag:s21], $0x2800  }
0x19: {  	[sflag:s21] =	ssyncset.done $0x0  }
0x1a: {  	[sflag:s21] =	ssyncadd.s32 $0xFFFFD800  }
0x1b: {  	[spmem:s7] =	stream.linear.scatter [tilespmem:s20], [sflag:$0x2], $0x2800, $0x38;
	[tilespmem:$0x1E080] =	vst v63  }
0x1c: {  	_ =	swait.ge [sflag:s21], $0x2800  }
0x1d: {  	[sflag:s21] =	ssyncset.done $0x0  }
0x1e: {  	[sflag:s21] =	ssyncadd.s32 $0xFFFFD800  }
0x1f: {  	[spmem:s8] =	stream.linear.scatter [tilespmem:s20], [sflag:$0x2], $0x2800, $0x38;
	[tilespmem:$0x1E080] =	vst v63  }
0x20: {  	_ =	swait.ge [sflag:s21], $0x2800  }
0x21: {  	[sflag:s21] =	ssyncset.done $0x0  }
0x22: {  	[sflag:s21] =	ssyncadd.s32 $0xFFFFD800  }
0x23: {  	[spmem:s9] =	stream.linear.scatter [tilespmem:s20], [sflag:$0x2], $0x2800, $0x38;
	[tilespmem:$0x1E080] =	vst v63  }
0x24: {  	_ =	swait.ge [sflag:s21], $0x2800  }
0x25: {  	[sflag:s21] =	ssyncset.done $0x0  }
0x26: {  	[sflag:s21] =	ssyncadd.s32 $0xFFFFD800  }
0x27: {  	[spmem:s10] =	stream.linear.scatter [tilespmem:s20], [sflag:$0x2], $0x2800, $0x38;
	[tilespmem:$0x1E080] =	vst v63  }
0x28: {  	_ =	swait.ge [sflag:s21], $0x2800  }
0x29: {  	[sflag:s21] =	ssyncset.done $0x0  }
0x2a: {  	[sflag:s21] =	ssyncadd.s32 $0xFFFFD800  }
0x2b: {  	[spmem:s11] =	stream.linear.scatter [tilespmem:s20], [sflag:$0x2], $0x2800, $0x38;
	[tilespmem:$0x1E080] =	vst v63  }
0x2c: {  	_ =	swait.ge [sflag:s21], $0x2800  }
0x2d: {  	[sflag:s21] =	ssyncset.done $0x0  }
0x2e: {  	[sflag:s21] =	ssyncadd.s32 $0xFFFFD800  }
0x2f: {  	[spmem:s12] =	stream.linear.scatter [tilespmem:s20], [sflag:$0x2], $0x2800, $0x38;
	[tilespmem:$0x1E080] =	vst v63  }
0x30: {  	_ =	swait.ge [sflag:s21], $0x2800  }
0x31: {  	[sflag:s21] =	ssyncset.done $0x0  }
0x32: {  	[sflag:s21] =	ssyncadd.s32 $0xFFFFD800  }
0x33: {  	[spmem:s13] =	stream.linear.scatter [tilespmem:s20], [sflag:$0x2], $0x2000, $0x38;
	[tilespmem:$0x1E080] =	vst v63  }
0x34: {  	_ =	swait.ge [sflag:s21], $0x2000  }
0x35: {  	[sflag:s21] =	ssyncset.done $0x0  }
0x36: {  	s26 =	simm.s32 @!p0 $0x8000;
	[sflag:s21] =	ssyncadd.s32 $0xFFFFE000  }
0x37: {  	[spmem:s14] =	stream.linear.scatter @!p0 [tilespmem:s26], [sflag:$0x2], $0x800, $0x38;
	[tilespmem:$0x1E080] =	vst v63  }
0x38: {  	s26 =	simm.s32 @!p0 $0x2  }
0x39: {  	_ =	swait.ge @!p0 [sflag:s26], $0x800  }
0x3a: {  	[sflag:s26] =	ssyncset.done @!p0 $0x0  }
0x3b: {  	[sflag:s26] =	ssyncadd.s32 @!p0 $0xFFFFF800  }
0x3c: {  	[tilespmem:s20], [sflag:$0x2] =	stream.linear.gather [spmem:s6], $0x400, $0x38;
	[tilespmem:$0x1E080] =	vst v63  }
0x3d: {  	_ =	swait.ge [sflag:s21], $0x400  }
0x3e: {  	[sflag:s21] =	ssyncset.done $0x0  }
0x3f: {  	[sflag:s21] =	ssyncadd.s32 $0xFFFFFC00  }
0x40: {  	[bflag:$0x0] =	sbarrier.arrive $0xFFFF  }
0x41: {  	[tilespmem:s4], [sflag:$0x2] =	stream.linear.gather [hbm4b:s15+s4], $0x3E80, $0x38;
	[tilespmem:$0x1E080] =	vst v63  }
0x42: {  	_ =	swait.ge [sflag:s21], $0x3E80  }
0x43: {  	[sflag:s21] =	ssyncset.done $0x0  }
0x44: {  	[sflag:s21] =	ssyncadd.s32 $0xFFFFC180  }
0x45: {  	[tilespmem:s22], [sflag:$0x2] =	stream.linear.gather [hbm4b:s16+s4], $0x3E80, $0x38;
	[tilespmem:$0x1E080] =	vst v63  }
0x46: {  	_ =	swait.ge [sflag:s21], $0x3E80  }
0x47: {  	[sflag:s21] =	ssyncset.done $0x0  }
0x48: {  	[sflag:s21] =	ssyncadd.s32 $0xFFFFC180  }
0x49: {  	s30 =	simm.s32 $0x0;
	[bflag:$0x0] =	sbarrier.arrive $0xFFFF  }
0x4a: {  	[tilespmem:s20], [sflag:$0x1] =	stream.indirect.gather [hbm4b:s2+s23], $0x80, s30, s23, $0xb8;
	[tilespmem:$0x1E080] =	vst v63  }
0x4b: {  	_ =	swait.ge [sflag:s24], $0x2800  }
0x4c: {  	[sflag:s24] =	ssyncset.done $0x0  }
0x4d: {  	s31 =	simm.s32 $0x4000;
	[sflag:s24] =	ssyncadd.s32 $0xFFFFD800  }
0x4e: {  	[spmem:s3] =	stream.indirect.scatter.add.f32 [tilespmem:s20], [sflag:$0x2], $0x80, s31, s23, $0xb8;
	[tilespmem:$0x1E080] =	vst v63  }
0x4f: {  	_ =	swait.ge [sflag:s21], $0x2800  }
0x50: {  	s28 =	simm.s32 $0x400;
	s26 =	simm.s32 $0x200;
	[sflag:s21] =	ssyncset.done $0x0  }
.LBB2_2:
0x51: {  	s29 =	sshra.s32 s26, $0x2  }
0x52: {  	[sflag:s21] =	ssyncadd.s32 $0xFFFFD800;
	s26 =	smov.u32 s28;
	s30 =	sadd.s32 $0x200, s28  }
0x53: {  	[tilespmem:s20], [sflag:$0x1] =	stream.indirect.gather [hbm4b:s2+s23], $0x80, s29, s23, $0xb8;
	[tilespmem:$0x1E080] =	vst v63  }
0x54: {  	p1 =	sne.s32 s28, $0xF800;
	_ =	swait.ge [sflag:s24], $0x2800  }
.Ltmp0:
0x55: {  	[sflag:s24] =	ssyncset.done $0x0;
	(pc) =	sbr.rel @p1 .LBB2_2-.Ltmp0, $4  }
0x56: {  	s28 =	sadd.s32 $0x4000, s29;
	[sflag:s24] =	ssyncadd.s32 $0xFFFFD800  }
0x57: {  	[spmem:s3] =	stream.indirect.scatter.add.f32 [tilespmem:s20], [sflag:$0x2], $0x80, s28, s23, $0xb8;
	[tilespmem:$0x1E080] =	vst v63  }
0x58: {  	_ =	swait.ge [sflag:s21], $0x2800  }
0x59: {  	s28 =	smov.u32 s30;
	[sflag:s21] =	ssyncset.done $0x0  }
0x5a: {  	s26 =	sshra.s32 s26, $0x2;
	[sflag:s21] =	ssyncadd.s32 $0xFFFFD800  }
0x5b: {  	[tilespmem:s20], [sflag:$0x1] =	stream.indirect.gather [hbm4b:s2+s23], $0x80, s26, s23, $0xb8;
	[tilespmem:$0x1E080] =	vst v63  }
0x5c: {  	_ =	swait.ge [sflag:s24], $0x2800  }
0x5d: {  	[sflag:s24] =	ssyncset.done $0x0  }
0x5e: {  	s26 =	sadd.s32 $0x4000, s26;
	[sflag:s24] =	ssyncadd.s32 $0xFFFFD800  }
0x5f: {  	[spmem:s3] =	stream.indirect.scatter.add.f32 [tilespmem:s20], [sflag:$0x2], $0x80, s26, s23, $0xb8;
	[tilespmem:$0x1E080] =	vst v63  }
0x60: {  	_ =	swait.ge [sflag:s21], $0x2800  }
0x61: {  	[sflag:s21] =	ssyncset.done $0x0  }
0x62: {  	[sflag:s21] =	ssyncadd.s32 $0xFFFFD800  }
0x63: {  	[tilespmem:s20], [sflag:$0x2] =	stream.linear.gather [spmem:s6], $0x400, $0x38;
	[tilespmem:$0x1E080] =	vst v63  }
0x64: {  	_ =	swait.ge [sflag:s21], $0x400  }
0x65: {  	[sflag:s21] =	ssyncset.done $0x0  }
0x66: {  	s31 =	sshll.u32 s1, $0x6;
	[sflag:s21] =	ssyncadd.s32 $0xFFFFFC00  }
0x67: {  	s28 =	sshrl.u32 s6, $0x3;
	s26 =	sor.u32 $0x1C02, s31;
	[bflag:$0x0] =	sbarrier.arrive $0xFFFF  }
0x68: {  	[hbm:s17], [sflag:s26] =	dma.local [spmem:s28], $0x2700  }
0x69: {  	_ =	swait.ge [sflag:s21], $0x2700  }
0x6a: {  	s25 =	sadd.s32 $0x1, s25;
	[sflag:s21] =	ssyncset.done $0x0  }
0x6b: {  	p1 =	sne.s32 s25, s19;
	s28 =	sshrl.u32 @!p0 s14, $0x3;
	[sflag:s21] =	ssyncadd.s32 $0xFFFFD900  }
0x6c: {  	[hbm:s18], [sflag:s26] =	dma.local @!p0 [spmem:s28], $0x100  }
.Ltmp1:
0x6d: {  	_ = 	snop;
	(pc) =	sbr.rel @p1 .LBB2_1-.Ltmp1, $4  }
0x6e: {  	s26 =	simm.s32 @!p0 $0x2  }
0x6f: {  	_ =	swait.ge @!p0 [sflag:s26], $0x100  }
0x70: {  	[sflag:s26] =	ssyncset.done @!p0 $0x0  }
0x71: {  	[sflag:s26] =	ssyncadd.s32 @!p0 $0xFFFFFF00  }
0x72: {  	_ =	sfence.sel $0x180000  }
0x73: {  	[bflag:$0x0] =	sbarrier.arrive $0xFFFF  }
0x74: {  	p0 =	sne.s32 s1, $0x0;
	_ =	strace $0x9000004D  }
0x75: {  	s0 =	sadd.s32 @!p0 $0x100000, s0;
	[bflag:$0x2] =	sbarrier.arrive $0xFFFF  }
0x76: {  	[sflag:s0] =	ssyncadd.tile.s32 @!p0 $0x1;
	_ =	shalt  }
.Lfunc_end2:
_tile_overlayer_lowered:
.L_overlay_start_2:
0x77: {  	(tag) =	ssettag $0x2  }
0x78: {  	s0 =	rddreg [dreg:$0x0];
	s2 =	stileid.u32  }
0x79: {  	s1 =	rddreg [dreg:$0x1];
	p0 =	sne.s32 s2, $0x0  }
0x7a: {  	s3 =	rddreg [dreg:$0x2];
	[bflag:$0x3] =	sbarrier.arrive $0xFFFF;
	s2 =	simm.s32 @!p0 $0x1C02  }
0x7b: {  	[timem:s3], [sflag:s2] =	dma.local @!p0 [hbm:s0], s1  }
0x7c: {  	s0 =	simm.s32 @!p0 $0x2  }
0x7d: {  	_ =	swait.ge @!p0 [sflag:s0], s1  }
0x7e: {  	s1 =	ssub.s32 @!p0 $0x0, s1;
	[sflag:s0] =	ssyncset.done @!p0 $0x0  }
0x7f: {  	[sflag:s0] =	ssyncadd.s32 @!p0 s1  }
0x80: {  	[bflag:$0x3] =	sbarrier.arrive $0xFFFF  }
0x81: {  	_ =	shalt  }

// kernel: kernel.8.cloned.1.call-start
scs
__scs_entry_jumppad:
0x0: {  	(pc) =	sbr.rel $0x88, $3  }
0x1: {  	(tag) =	ssettag $0x0;
	lr =	simm.s32 $0x1  }
0x2: {  	[smem:$0x3F9B] =	sst lr;
	_ =	strace $0xD0000000  }
0x3: {  	_ = 	snop  }
0x4: {  	_ = 	snop  }
0x5: {  	_ = 	snop  }
0x6: {  	_ = 	snop  }
0x7: {  	_ = 	snop  }
__scs_overlays_trampoline_lowered:
0x8: {  	[smem:$0x3FAA] =	sst s0  }
0x9: {  	[smem:$0x3FAB] =	sst s1  }
0xa: {  	[smem:$0x3FAC] =	sst s2  }
0xb: {  	[smem:$0x3FAD] =	sst s3  }
0xc: {  	[smem:$0x3FAE] =	sst s4  }
0xd: {  	[smem:$0x3FAF] =	sst s5  }
0xe: {  	[smem:$0x3FB0] =	sst s6  }
0xf: {  	[smem:$0x3FB1] =	sst s7  }
0x10: {  	[smem:$0x3FB2] =	sst s8  }
0x11: {  	[smem:$0x3FB3] =	sst s9;
	s0 =	simm.s32 @!p0 $0x0  }
0x12: {  	s1 =	sld [smem:$0x3F99];
	s0 =	simm.s32 @p0 $0x1  }
0x13: {  	[smem:$0x3FB4] =	sst s0;
	s0 =	simm.s32 @!p1 $0x0  }
0x14: {  	s2 =	sld [smem:$0x3F98];
	s0 =	simm.s32 @p1 $0x1  }
0x15: {  	[smem:$0x3FB5] =	sst s0;
	s0 =	simm.s32 @!p2 $0x0  }
0x16: {  	s3 =	sld [smem:$0x3FDB];
	s0 =	simm.s32 @p2 $0x1  }
0x17: {  	s4 =	simm.s32 $0x1BF5;
	[smem:$0x3FB7] =	sst s0  }
0x18: {  	s0 =	sld [smem:$0x3F9A];
	_ =	swait.ge [sflag:s4], $0x0  }
0x19: {  	s7 =	sld [smem:$0x3F9B]  }
0x1a: {  	s8 =	sadd.s32 $0xFFFFE003, lr  }
0x1b: {  	s9 =	sadd.s32 $0xFFFFFEF7, lr;
	s5 =	simm.s32 $0xFFFFFFFF;
	p2 =	slt.u32 s8, $0xFFFFF086  }
0x1c: {  	p1 =	slt.u32 s9, $0xF7A;
	s5 =	simm.s32 @!p2 $0x0  }
0x1d: {  	s5 =	simm.s32 @p1 $0x1;
	p0 =	seq.s32 s7, s2  }
0x1e: {  	s7 =	smul.u32 @!p0 $0xF7A, s2;
	p2 =	seq.s32 @!p0 s5, $0x0  }
0x1f: {  	s9 =	smul.u32 $0xF7A, s1;
	s8 =	simm.s32 @!p0 $0x1BF5;
	p2 =	por !p2, p0  }
0x20: {  	[sflag:s8] =	ssyncset.s32 @!p0 $0xFFFFF086;
	s6 =	sadd.s32 @!p0 s3, s7;
	s7 =	simm.s32 @!p0 $0x108  }
0x21: {  	s3 =	sadd.s32 s3, s9;
	s6 =	sadd.s32 @!p0 $0x88, s6;
	s7 =	simm.s32 @p2 $0x1082  }
0x22: {  	[simem:s7], [sflag:s8] =	dma.local @!p0 [hbm:s6], $0xF7A  }
0x23: {  	s9 =	sor.u32 $0xD0000000, s2;
	s6 =	simm.s32 $0x108;
	_ =	swait.ge @!p0 [sflag:s8], $0x0  }
0x24: {  	s3 =	sadd.s32 $0x88, s3;
	s6 =	simm.s32 @!p1 $0x1082;
	[sflag:s4] =	ssyncset.s32 $0xFFFFF086  }
0x25: {  	[simem:s6], [sflag:s4] =	dma.local [hbm:s3], $0xF7A  }
0x26: {  	[smem:$0x3F9B] =	sst s1;
	(tag) =	ssettag s2;
	_ =	strace s9  }
0x27: {  	s1 =	sld [smem:$0x3FAB]  }
0x28: {  	s2 =	sld [smem:$0x3FAC]  }
0x29: {  	s4 =	sld [smem:$0x3FAE]  }
0x2a: {  	p0 =	seq.s32 s5, $0x0;
	s5 =	sld [smem:$0x3FAF]  }
0x2b: {  	s6 =	sld [smem:$0x3FB0]  }
0x2c: {  	s7 =	sld [smem:$0x3FB1]  }
0x2d: {  	s3 =	simm.s32 $0x108;
	s8 =	sld [smem:$0x3FB2]  }
0x2e: {  	s3 =	simm.s32 @!p0 $0x1082;
	s9 =	sld [smem:$0x3FB3]  }
0x2f: {  	lr =	sadd.s32 s0, s3;
	s0 =	sld [smem:$0x3FAA]  }
0x30: {  	s3 =	sld [smem:$0x3FAD]  }
0x31: {  	[smem:$0x3FB6] =	sst s10  }
0x32: {  	s10 =	sld [smem:$0x3FB4];
	_ =	sdelay $0x3  }
0x33: {  	p0 =	seq.s32 s10, $0x1;
	s10 =	sld [smem:$0x3FB6];
	_ =	sdelay $0x3  }
0x34: {  	[smem:$0x3FB6] =	sst s10  }
0x35: {  	s10 =	sld [smem:$0x3FB5];
	_ =	sdelay $0x3  }
0x36: {  	p1 =	seq.s32 s10, $0x1;
	s10 =	sld [smem:$0x3FB6];
	_ =	sdelay $0x3  }
0x37: {  	[smem:$0x3FB6] =	sst s10  }
0x38: {  	s10 =	sld [smem:$0x3FB7]  }
0x39: {  	_ = 	snop;
	(pc) =	sbr.ind lr, $3  }
0x3a: {  	_ = 	snop  }
0x3b: {  	_ = 	snop  }
0x3c: {  	p2 =	seq.s32 s10, $0x1;
	s10 =	sld [smem:$0x3FB6]  }
0x3d: {  	_ =	shalt  }
0x3e: {  	_ =	shalt  }
0x3f: {  	_ =	shalt  }
0x40: {  	_ =	shalt  }
0x41: {  	_ =	shalt  }
0x42: {  	_ =	shalt  }
0x43: {  	_ =	shalt  }
0x44: {  	_ =	shalt  }
0x45: {  	_ =	shalt  }
0x46: {  	_ =	shalt  }
0x47: {  	_ =	shalt  }
0x48: {  	_ =	shalt  }
0x49: {  	_ =	shalt  }
0x4a: {  	_ =	shalt  }
0x4b: {  	_ =	shalt  }
0x4c: {  	_ =	shalt  }
0x4d: {  	_ =	shalt  }
0x4e: {  	_ =	shalt  }
0x4f: {  	_ =	shalt  }
0x50: {  	_ =	shalt  }
0x51: {  	_ =	shalt  }
0x52: {  	_ =	shalt  }
0x53: {  	_ =	shalt  }
0x54: {  	_ =	shalt  }
0x55: {  	_ =	shalt  }
0x56: {  	_ =	shalt  }
0x57: {  	_ =	shalt  }
0x58: {  	_ =	shalt  }
0x59: {  	_ =	shalt  }
0x5a: {  	_ =	shalt  }
0x5b: {  	_ =	shalt  }
0x5c: {  	_ =	shalt  }
0x5d: {  	_ =	shalt  }
0x5e: {  	_ =	shalt  }
0x5f: {  	_ =	shalt  }
0x60: {  	_ =	shalt  }
0x61: {  	_ =	shalt  }
0x62: {  	_ =	shalt  }
0x63: {  	_ =	shalt  }
0x64: {  	_ =	shalt  }
0x65: {  	_ =	shalt  }
0x66: {  	_ =	shalt  }
0x67: {  	_ =	shalt  }
0x68: {  	_ =	shalt  }
0x69: {  	_ =	shalt  }
0x6a: {  	_ =	shalt  }
0x6b: {  	_ =	shalt  }
0x6c: {  	_ =	shalt  }
0x6d: {  	_ =	shalt  }
0x6e: {  	_ =	shalt  }
0x6f: {  	_ =	shalt  }
0x70: {  	_ =	shalt  }
0x71: {  	_ =	shalt  }
0x72: {  	_ =	shalt  }
0x73: {  	_ =	shalt  }
0x74: {  	_ =	shalt  }
0x75: {  	_ =	shalt  }
0x76: {  	_ =	shalt  }
0x77: {  	_ =	shalt  }
0x78: {  	_ =	shalt  }
0x79: {  	_ =	shalt  }
0x7a: {  	_ =	shalt  }
0x7b: {  	_ =	shalt  }
0x7c: {  	_ =	shalt  }
0x7d: {  	_ =	shalt  }
0x7e: {  	_ =	shalt  }
0x7f: {  	_ =	shalt  }
0x80: {  	_ =	shalt  }
0x81: {  	_ =	shalt  }
0x82: {  	_ =	shalt  }
0x83: {  	_ =	shalt  }
0x84: {  	_ =	shalt  }
0x85: {  	_ =	shalt  }
0x86: {  	_ =	shalt  }
0x87: {  	_ =	shalt  }
.Lfunc_end0:
.L_simem_size_0:
called_computation_lowered:
.L_overlay_start_0:
0x88: {  	s2 =	sld [smem:$0x3FD9]  }
0x89: {  	s3 =	sld [smem:$0x3FFE];
	_ =	sdelay $0x1  }
0x8a: {  	s1 =	srdreg.scid  }
0x8b: {  	s0 =	sand.u32 $0x1, s1  }
0x8c: {  	s17 =	sshll.u32 s0, $0xA;
	s2 =	sadd.s32 s3, s2  }
0x8d: {  	s2 =	sadd.s32 s2, s17  }
0x8e: {  	[smem:$0x3FC2] =	sst s2  }
0x8f: {  	_ = 	snop  }
0x90: {  	s2 =	sld [smem:$0x3FD0];
	(tm) =	ssettm $0x1  }
0x91: {  	s18 =	sld [smem:$0x3FFB];
	_ =	sdelay $0x3  }
0x92: {  	_ =	strace s18  }
0x93: {  	s3 =	sld [smem:$0x3FFC];
	_ =	sdelay $0x3  }
0x94: {  	_ =	strace s3  }
0x95: {  	s3 =	sld [smem:$0x3FFD];
	_ =	sdelay $0x3  }
0x96: {  	_ =	strace s3  }
0x97: {  	_ =	strace $0x8FFFFFFF  }
0x98: {  	s19 =	sld [smem:$0x3FDB];
	_ =	sdelay $0x1  }
0x99: {  	s4 =	simm.s32 $_scs_section_size  }
0x9a: {  	s5 =	simm.s32 $_size__tile_overlayer_lowered;
	s6 =	simm.s32 $_tile_overlayer_lowered  }
0x9b: {  	s22 =	simm.s32 $0x1BFF;
	s21 =	sshll.u32 s6, $0x1;
	s3 =	sadd.s32 s4, s19  }
0x9c: {  	s7 =	simm.s32 $0x0;
	s20 =	sshll.u32 s5, $0x1;
	s5 =	sadd.s32 s21, s3  }
0x9d: {  	[timem:s7], [sflag:s22] =	dma.local [hbm:s5], s20  }
0x9e: {  	_ =	swait.ge [sflag:s22], s20  }
0x9f: {  	s4 =	ssub.s32 $0x0, s20;
	[sflag:s22] =	ssyncset.done $0x0  }
0xa0: {  	[sflag:s22] =	ssyncadd.s32 s4;
	_ =	sdelay $0x1  }
0xa1: {  	s23 =	simm.s32 $0x1B8B  }
0xa2: {  	_ =	swait.ge [sflag:s23], $0x1  }
0xa3: {  	[sflag:s23] =	ssyncset.done $0x0  }
0xa4: {  	s25 =	simm.s32 $0x1B8E;
	s24 =	sld [smem:$0x3FFE];
	[sflag:s23] =	ssyncadd.s32 $0xFFFFFFFF  }
0xa5: {  	s26 =	simm.s32 $execute0_lowered;
	[smem:$0x3FD2] =	sst s25  }
0xa6: {  	s5 =	sshll.u32 s26, $0x1;
	_ =	strace $0x80000046;
	[dreg:$0x1] =	wrdreg $0xFFFFFFFF  }
0xa7: {  	s28 =	simm.s32 $_size_execute0_lowered;
	s3 =	sadd.s32 s3, s5;
	[dreg:$0x0] =	wrdreg $0x0  }
0xa8: {  	s5 =	sshll.u32 s28, $0x1;
	[dreg:$0x2] =	wrdreg s3  }
0xa9: {  	[dreg:$0x3] =	wrdreg s5  }
0xaa: {  	[dreg:$0x4] =	wrdreg $0xC0  }
0xab: {  	_ =	task [dreg:s7], $0x5FFFF  }
0xac: {  	[dreg:$0x1] =	wrdreg $0xFFFFFFFF  }
0xad: {  	[dreg:$0x0] =	wrdreg $0x60  }
0xae: {  	[dreg:$0x2] =	wrdreg s24  }
0xaf: {  	[dreg:$0x3] =	wrdreg s2  }
0xb0: {  	[dreg:$0x4] =	wrdreg $0x90000  }
0xb1: {  	[dreg:$0x5] =	wrdreg $0x9  }
0xb2: {  	_ =	task.clear_ibuf [dreg:s7], $0x6FFFF;
	_ =	strace $0x90000046  }
0xb3: {  	s29 =	simm.s32 $0x9;
	_ =	strace $0x80000048  }
0xb4: {  	_ =	swait.ge [sflag:s29], $0x1  }
0xb5: {  	[sflag:s29] =	ssyncadd.s32 $0xFFFFFFFF  }
0xb6: {  	_ =	strace $0x90000048  }
0xb7: {  	_ =	sfence  }
0xb8: {  	s30 =	sld [smem:$0x0];
	_ =	sdelay $0x2  }
0xb9: {  	s31 =	sshll.u32 s1, $0xD;
	s1 =	sshrl.u32 s1, $0x2  }
0xba: {  	s3 =	sand.u32 $0x4000, s31;
	s1 =	sadd.s32 s1, s30  }
0xbb: {  	s0 =	sor.u32 s3, s0;
	s1 =	sshll.u32 s1, $0x11  }
0xbc: {  	s0 =	sor.u32 s1, s0  }
0xbd: {  	s0 =	sadd.s32 $0x8F2B, s0  }
0xbe: {  	[sflag:s0] =	ssyncadd.remote.s32 $0x1  }
0xbf: {  	_ =	sfence.sel $0xFFFF  }
0xc0: {  	[dreg:$0x0] =	wrdreg $0xFFFFFFFF;
	(pc) =	sbr.abs _section_cstart, $3  }
0xc1: {  	[dreg:$0x1] =	wrdreg $0xFFFFFFFF  }
0xc2: {  	_ =	task.clear_ibuf [dreg:s7], $0x2FFFF;
	_ =	strace $0x9FFFFFFF  }
0xc3: {  	(tm) =	ssettm $0x7FFFFFFF  }
tec
execute0_lowered:
.L_overlay_start_1:
0x0: {  	(tag) =	ssettag $0x1  }
0x1: {  	s6 =	rddreg [dreg:$0x0]  }
0x2: {  	s1 =	rddreg [dreg:$0x1]  }
0x3: {  	s2 =	rddreg [dreg:$0x2]  }
0x4: {  	s0 =	rddreg [dreg:$0x3];
	s3 =	srdreg.scid  }
0x5: {  	s4 =	simm.s32 $0x0;
	s21 =	simm.s32 $0x6800;
	s22 =	simm.s32 $0x50  }
0x6: {  	s26 =	simm.s32 $0x0;
	s9 =	sand.u32 $0x1, s3;
	s3 =	stileid.u32  }
0x7: {  	[smem:$0x7FF] =	sst s4;
	s17 =	sadd.s32 $0x12C00, s6;
	s7 =	smul.u32 $0x4E000, s3  }
0x8: {  	s14 =	sadd.s32 $0x138000, s2;
	s5 =	sshll.u32 s9, $0xB;
	s16 =	smul.u32 $0x138800, s9  }
0x9: {  	_ =	strace $0x80000047;
	s8 =	ssub.s32 $0x2, s9;
	s19 =	smul.u32 $0x13800, s3  }
0xa: {  	s20 =	sshll.u32 s3, $0xC;
	p0 =	sne.s32 s3, $0xF;
	s23 =	sshll.u32 s3, $0x6  }
0xb: {  	s15 =	sadd.s32 s5, s6;
	s5 =	sadd.s32 $0x12600, s6;
	s10 =	sshrl.u32 s8, $0x1  }
0xc: {  	s23 =	sor.u32 $0x1C01, s23;
	s25 =	sshrl.u32 @!p0 s14, $0x3;
	s7 =	sshrl.u32 s7, $0x2  }
0xd: {  	s18 =	ssub.s32 s8, s10;
	s19 =	sadd.s32 s19, s16;
	s15 =	sadd.s32 s20, s15  }
0xe: {  	s31 =	sshrl.u32 s16, $0x3;
	s20 =	simm.s32 $0x1;
	s6 =	sadd.s32 s7, s2  }
0xf: {  	s19 =	sshrl.u32 s19, $0x3;
	s15 =	sadd.s32 $0x2600, s15;
	s18 =	smax.u32 s18, $0x1  }
0x10: {  	s7 =	sadd.s32 $0x2800, s6;
	s8 =	sadd.s32 $0x5000, s6;
	s9 =	sadd.s32 $0x7800, s6  }
0x11: {  	s10 =	sadd.s32 $0xA000, s6;
	s11 =	sadd.s32 $0xC800, s6;
	s12 =	sadd.s32 $0xF000, s6  }
0x12: {  	s13 =	sadd.s32 $0x11800, s6;
	s16 =	sadd.s32 s17, s19;
	s17 =	sadd.s32 s17, s31  }
0x13: {  	s19 =	simm.s32 $0x4000;
	s24 =	sshrl.u32 s6, $0x3;
	s17 =	sadd.s32 $0x27000, s17  }
.LBB2_1:
0x14: {  	[tilespmem:s19], [sflag:$0x1] =	stream.linear.gather [hbm4b:s1+s4], $0x2800, $0x38;
	[tilespmem:$0xB710] =	vst v63  }
0x15: {  	_ =	swait.ge [sflag:s20], $0x2800  }
0x16: {  	[sflag:s20] =	ssyncset.done $0x0  }
0x17: {  	[sflag:s20] =	ssyncadd.s32 $0xFFFFD800  }
0x18: {  	[tilespmem:s21], [sflag:$0x1] =	stream.linear.gather [hbm4b:s5+s4], $0x2800, $0x38;
	[tilespmem:$0xB710] =	vst v63  }
0x19: {  	_ =	swait.ge [sflag:s20], $0x2800  }
0x1a: {  	[sflag:s20] =	ssyncset.done $0x0  }
0x1b: {  	[sflag:s20] =	ssyncadd.s32 $0xFFFFD800  }
0x1c: {  	[spmem:s6] =	stream.linear.scatter [tilespmem:s21], [sflag:$0x1], $0x2800, $0x38;
	[tilespmem:$0xB710] =	vst v63  }
0x1d: {  	_ =	swait.ge [sflag:s20], $0x2800  }
0x1e: {  	[sflag:s20] =	ssyncset.done $0x0  }
0x1f: {  	[sflag:s20] =	ssyncadd.s32 $0xFFFFD800  }
0x20: {  	[spmem:s7] =	stream.linear.scatter [tilespmem:s21], [sflag:$0x1], $0x2800, $0x38;
	[tilespmem:$0xB710] =	vst v63  }
0x21: {  	_ =	swait.ge [sflag:s20], $0x2800  }
0x22: {  	[sflag:s20] =	ssyncset.done $0x0  }
0x23: {  	[sflag:s20] =	ssyncadd.s32 $0xFFFFD800  }
0x24: {  	[spmem:s8] =	stream.linear.scatter [tilespmem:s21], [sflag:$0x1], $0x2800, $0x38;
	[tilespmem:$0xB710] =	vst v63  }
0x25: {  	_ =	swait.ge [sflag:s20], $0x2800  }
0x26: {  	[sflag:s20] =	ssyncset.done $0x0  }
0x27: {  	[sflag:s20] =	ssyncadd.s32 $0xFFFFD800  }
0x28: {  	[spmem:s9] =	stream.linear.scatter [tilespmem:s21], [sflag:$0x1], $0x2800, $0x38;
	[tilespmem:$0xB710] =	vst v63  }
0x29: {  	_ =	swait.ge [sflag:s20], $0x2800  }
0x2a: {  	[sflag:s20] =	ssyncset.done $0x0  }
0x2b: {  	[sflag:s20] =	ssyncadd.s32 $0xFFFFD800  }
0x2c: {  	[spmem:s10] =	stream.linear.scatter [tilespmem:s21], [sflag:$0x1], $0x2800, $0x38;
	[tilespmem:$0xB710] =	vst v63  }
0x2d: {  	_ =	swait.ge [sflag:s20], $0x2800  }
0x2e: {  	[sflag:s20] =	ssyncset.done $0x0  }
0x2f: {  	[sflag:s20] =	ssyncadd.s32 $0xFFFFD800  }
0x30: {  	[spmem:s11] =	stream.linear.scatter [tilespmem:s21], [sflag:$0x1], $0x2800, $0x38;
	[tilespmem:$0xB710] =	vst v63  }
0x31: {  	_ =	swait.ge [sflag:s20], $0x2800  }
0x32: {  	[sflag:s20] =	ssyncset.done $0x0  }
0x33: {  	[sflag:s20] =	ssyncadd.s32 $0xFFFFD800  }
0x34: {  	[spmem:s12] =	stream.linear.scatter [tilespmem:s21], [sflag:$0x1], $0x2800, $0x38;
	[tilespmem:$0xB710] =	vst v63  }
0x35: {  	_ =	swait.ge [sflag:s20], $0x2800  }
0x36: {  	[sflag:s20] =	ssyncset.done $0x0  }
0x37: {  	[sflag:s20] =	ssyncadd.s32 $0xFFFFD800  }
0x38: {  	[spmem:s13] =	stream.linear.scatter [tilespmem:s21], [sflag:$0x1], $0x2000, $0x38;
	[tilespmem:$0xB710] =	vst v63  }
0x39: {  	_ =	swait.ge [sflag:s20], $0x2000  }
0x3a: {  	[sflag:s20] =	ssyncset.done $0x0  }
0x3b: {  	s28 =	simm.s32 @!p0 $0x6800;
	[sflag:s20] =	ssyncadd.s32 $0xFFFFE000  }
0x3c: {  	[spmem:s14] =	stream.linear.scatter @!p0 [tilespmem:s28], [sflag:$0x1], $0x800, $0x38;
	[tilespmem:$0xB710] =	vst v63  }
0x3d: {  	s28 =	simm.s32 @!p0 $0x1  }
0x3e: {  	_ =	swait.ge @!p0 [sflag:s28], $0x800  }
0x3f: {  	[sflag:s28] =	ssyncset.done @!p0 $0x0  }
0x40: {  	[sflag:s28] =	ssyncadd.s32 @!p0 $0xFFFFF800  }
0x41: {  	[tilespmem:s21], [sflag:$0x1] =	stream.linear.gather [spmem:s6], $0x400, $0x38;
	[tilespmem:$0xB710] =	vst v63  }
0x42: {  	_ =	swait.ge [sflag:s20], $0x400  }
0x43: {  	[sflag:s20] =	ssyncset.done $0x0  }
0x44: {  	[sflag:s20] =	ssyncadd.s32 $0xFFFFFC00  }
0x45: {  	[bflag:$0x0] =	sbarrier.arrive $0xFFFF  }
0x46: {  	[tilespmem:s4], [sflag:$0x1] =	stream.linear.gather [hbm4b:s15+s4], $0x3E80, $0x38;
	[tilespmem:$0xB710] =	vst v63  }
0x47: {  	_ =	swait.ge [sflag:s20], $0x3E80  }
0x48: {  	[sflag:s20] =	ssyncset.done $0x0  }
0x49: {  	[sflag:s20] =	ssyncadd.s32 $0xFFFFC180  }
0x4a: {  	s28 =	simm.s32 $0x0;
	[bflag:$0x0] =	sbarrier.arrive $0xFFFF  }
0x4b: {  	[spmem:s2] =	stream.indirect.scatter.add.f32 [tilespmem:s19], [sflag:$0x1], $0x10, s28, s22, $0xb8;
	[tilespmem:$0xB710] =	vst v63  }
0x4c: {  	_ =	swait.ge [sflag:s20], $0x500  }
0x4d: {  	s28 =	simm.s32 $0x200;
	[sflag:s20] =	ssyncset.done $0x0  }
.LBB2_2:
0x4e: {  	s29 =	sshra.s32 s28, $0x2;
	[sflag:s20] =	ssyncadd.s32 $0xFFFFFB00;
	p1 =	sne.s32 s28, $0xF800  }
0x4f: {  	[spmem:s2] =	stream.indirect.scatter.add.f32 [tilespmem:s19], [sflag:$0x1], $0x10, s29, s22, $0xb8;
	[tilespmem:$0xB710] =	vst v63  }
.Ltmp0:
0x50: {  	_ = 	snop;
	(pc) =	sbr.rel @p1 .LBB2_2-.Ltmp0, $4  }
0x51: {  	_ = 	snop  }
0x52: {  	s28 =	sadd.s32 $0x200, s28  }
0x53: {  	_ =	swait.ge [sflag:s20], $0x500  }
0x54: {  	[sflag:s20] =	ssyncset.done $0x0  }
0x55: {  	[sflag:s20] =	ssyncadd.s32 $0xFFFFFB00  }
0x56: {  	[tilespmem:s21], [sflag:$0x1] =	stream.linear.gather [spmem:s6], $0x400, $0x38;
	[tilespmem:$0xB710] =	vst v63  }
0x57: {  	_ =	swait.ge [sflag:s20], $0x400  }
0x58: {  	[sflag:s20] =	ssyncset.done $0x0  }
0x59: {  	[sflag:s20] =	ssyncadd.s32 $0xFFFFFC00  }
0x5a: {  	[bflag:$0x0] =	sbarrier.arrive $0xFFFF  }
0x5b: {  	[hbm:s16], [sflag:s23] =	dma.local [spmem:s24], $0x2700  }
0x5c: {  	s26 =	sadd.s32 $0x1, s26;
	_ =	swait.ge [sflag:s20], $0x2700  }
0x5d: {  	p1 =	sne.s32 s26, s18;
	[sflag:s20] =	ssyncset.done $0x0  }
.Ltmp1:
0x5e: {  	s28 =	simm.s32 @!p0 $0x1;
	[sflag:s20] =	ssyncadd.s32 $0xFFFFD900;
	(pc) =	sbr.rel @p1 .LBB2_1-.Ltmp1, $4  }
0x5f: {  	[hbm:s17], [sflag:s23] =	dma.local @!p0 [spmem:s25], $0x100  }
0x60: {  	_ =	swait.ge @!p0 [sflag:s28], $0x100  }
0x61: {  	[sflag:s28] =	ssyncset.done @!p0 $0x0  }
0x62: {  	[sflag:s28] =	ssyncadd.s32 @!p0 $0xFFFFFF00  }
0x63: {  	_ =	sfence.sel $0x180000  }
0x64: {  	[bflag:$0x0] =	sbarrier.arrive $0xFFFF  }
0x65: {  	p0 =	sne.s32 s3, $0x0;
	_ =	strace $0x90000047  }
0x66: {  	s0 =	sadd.s32 @!p0 $0x100000, s0;
	[bflag:$0x2] =	sbarrier.arrive $0xFFFF  }
0x67: {  	[sflag:s0] =	ssyncadd.tile.s32 @!p0 $0x1;
	_ =	shalt  }
.Lfunc_end2:
_tile_overlayer_lowered:
.L_overlay_start_2:
0x68: {  	(tag) =	ssettag $0x2  }
0x69: {  	s0 =	rddreg [dreg:$0x0];
	s2 =	stileid.u32  }
0x6a: {  	s1 =	rddreg [dreg:$0x1];
	p0 =	sne.s32 s2, $0x0  }
0x6b: {  	s3 =	rddreg [dreg:$0x2];
	[bflag:$0x3] =	sbarrier.arrive $0xFFFF;
	s2 =	simm.s32 @!p0 $0x1C01  }
0x6c: {  	[timem:s3], [sflag:s2] =	dma.local @!p0 [hbm:s0], s1  }
0x6d: {  	s0 =	simm.s32 @!p0 $0x1  }
0x6e: {  	_ =	swait.ge @!p0 [sflag:s0], s1  }
0x6f: {  	s1 =	ssub.s32 @!p0 $0x0, s1;
	[sflag:s0] =	ssyncset.done @!p0 $0x0  }
0x70: {  	[sflag:s0] =	ssyncadd.s32 @!p0 s1  }
0x71: {  	[bflag:$0x3] =	sbarrier.arrive $0xFFFF  }
0x72: {  	_ =	shalt  }

</sc_bundles>
